<compile_context>
chip_gen: v7x
topology: tpu7x:2x2x1
jax: 0.10.2.dev20260603
libtpu: 0.0.44.dev20260713+nightly
codegen_flags: <defaults>
</compile_context>

<pallas_src>
import functools

import jax
import jax.numpy as jnp
from jax import lax
from jax.experimental import pallas as pl
from jax.experimental.pallas import tpu as pltpu
from jax.experimental.pallas import tpu_sc as plsc

N_NODES = 10000
D = 128
N_EDGES = 320000

NC = 2
NS = 16
EPT = N_EDGES // NS
EPT_PAD = 20480
CHUNK = 128
NCHUNK = EPT_PAD // CHUNK
N_HALF = N_NODES // NC
N_LOC = 5120
ROWS_PER_TILE = N_LOC // NS
CNT_W = 16


def _make_seg_sum(with_cnt):
  mesh = plsc.VectorSubcoreMesh(core_axis_name="c", subcore_axis_name="s")
  out_type = [jax.ShapeDtypeStruct((NC, N_LOC, D), jnp.float32)]
  scratch = [
      pltpu.VMEM((CHUNK,), jnp.int32),
      pltpu.VMEM((CHUNK,), jnp.int32),
      pltpu.VMEM((CHUNK, D), jnp.float32),
      pltpu.VMEM_SHARED((N_LOC, D), jnp.float32),
      pltpu.VMEM_SHARED((NS, 2, CHUNK), jnp.int32),
      pltpu.SemaphoreType.DMA,
  ]
  if with_cnt:
    out_type.append(jax.ShapeDtypeStruct((NC, N_LOC, CNT_W), jnp.float32))
    scratch += [
        pltpu.VMEM((CHUNK, CNT_W), jnp.float32),
        pltpu.VMEM_SHARED((N_LOC, CNT_W), jnp.float32),
    ]

  def body(x_hbm, src_hbm, dst_hbm, *rest):
    if with_cnt:
      (out_hbm, cnt_hbm, sidx, didx, gbuf, acc_sh, idx_sp, sem,
       onesb, cnt_sh) = rest
    else:
      out_hbm, sidx, didx, gbuf, acc_sh, idx_sp, sem = rest
    c = lax.axis_index("c")
    s = lax.axis_index("s")
    row0 = s * ROWS_PER_TILE

    zero16 = jnp.zeros((16,), jnp.float32)
    one16 = jnp.ones((16,), jnp.float32)

    def zrow(i, _):
      def zcol(j, _):
        gbuf[i, pl.ds(j * 16, 16)] = zero16
        return 0
      return lax.fori_loop(0, D // 16, zcol, 0)
    lax.fori_loop(0, CHUNK, zrow, 0)

    pltpu.sync_copy(gbuf, acc_sh.at[pl.ds(row0, CHUNK)])
    pltpu.sync_copy(gbuf, acc_sh.at[pl.ds(row0 + CHUNK, CHUNK)])
    pltpu.sync_copy(gbuf.at[pl.ds(0, 64)],
                    acc_sh.at[pl.ds(row0 + 2 * CHUNK, 64)])

    if with_cnt:
      def zorow(i, _):
        onesb[i, :] = zero16
        return 0
      lax.fori_loop(0, CHUNK, zorow, 0)
      pltpu.sync_copy(onesb, cnt_sh.at[pl.ds(row0, CHUNK)])
      pltpu.sync_copy(onesb, cnt_sh.at[pl.ds(row0 + CHUNK, CHUNK)])
      pltpu.sync_copy(onesb.at[pl.ds(0, 64)],
                      cnt_sh.at[pl.ds(row0 + 2 * CHUNK, 64)])

      def orow(i, _):
        onesb[i, :] = one16
        return 0
      lax.fori_loop(0, CHUNK, orow, 0)

    lo = c * N_HALF
    lov = jnp.full((16,), lo, jnp.int32)
    zv = jnp.zeros((16,), jnp.int32)
    nhv = jnp.full((16,), N_HALF, jnp.int32)
    trashv = jnp.full((16,), N_HALF + s, jnp.int32)

    plsc.subcore_barrier()

    def step(j, _):
      o = j * CHUNK
      pltpu.sync_copy(src_hbm.at[pl.ds(s * EPT_PAD + o, CHUNK)],
                      idx_sp.at[s, 0])
      pltpu.sync_copy(dst_hbm.at[pl.ds(s * EPT_PAD + o, CHUNK)],
                      idx_sp.at[s, 1])
      pltpu.sync_copy(idx_sp.at[s, 0], sidx)
      pltpu.sync_copy(idx_sp.at[s, 1], didx)

      def cstep(i, _):
        oo = i * 16
        d = didx[pl.ds(oo, 16)]
        dl = d - lov
        m = (dl >= zv) & (dl < nhv)
        didx[pl.ds(oo, 16)] = jnp.where(m, dl, trashv)
        sv = sidx[pl.ds(oo, 16)]
        sidx[pl.ds(oo, 16)] = jnp.where(m, sv, zv)
        return 0
      lax.fori_loop(0, CHUNK // 16, cstep, 0)

      pltpu.sync_copy(x_hbm.at[sidx], gbuf)
      pltpu.sync_copy(gbuf, acc_sh.at[didx], add=True)
      if with_cnt:
        pltpu.sync_copy(onesb, cnt_sh.at[didx], add=True)
      return 0
    lax.fori_loop(0, NCHUNK, step, 0)

    plsc.subcore_barrier()

    pltpu.sync_copy(acc_sh.at[pl.ds(row0, ROWS_PER_TILE)],
                    out_hbm.at[c, pl.ds(row0, ROWS_PER_TILE)])
    if with_cnt:
      pltpu.sync_copy(cnt_sh.at[pl.ds(row0, ROWS_PER_TILE)],
                      cnt_hbm.at[c, pl.ds(row0, ROWS_PER_TILE)])

  return pl.kernel(body, mesh=mesh, out_type=out_type, scratch_types=scratch)


_seg_sum_cnt = _make_seg_sum(True)

_BLK = 1000
_BPC = N_HALF // _BLK


def _tc_layer_body(p_ref, c_ref, x_ref, wl_ref, b_ref, wr_ref, lb_ref,
                   o_ref):
  cnt = jnp.maximum(c_ref[0, :, 0:1], 1.0)
  mean = p_ref[0] / cnt
  dn = (((1,), (1,)), ((), ()))
  acc = lax.dot_general(mean, wl_ref[...], dn,
                        preferred_element_type=jnp.float32)
  acc = acc + lax.dot_general(x_ref[...], wr_ref[...], dn,
                              preferred_element_type=jnp.float32)
  acc = acc + b_ref[...]
  o_ref[...] = jnp.maximum(acc, lb_ref[...])


def _tc_layer(parts, cnts, x, W_l, b_l, W_r, lb):
  grid = (N_NODES // _BLK,)
  return pl.pallas_call(
      _tc_layer_body,
      grid=grid,
      in_specs=(
          pl.BlockSpec((1, _BLK, D), lambda i: (i // _BPC, i % _BPC, 0)),
          pl.BlockSpec((1, _BLK, CNT_W), lambda i: (i // _BPC, i % _BPC, 0)),
          pl.BlockSpec((_BLK, D), lambda i: (i, 0)),
          pl.BlockSpec((D, D), lambda i: (0, 0)),
          pl.BlockSpec((1, D), lambda i: (0, 0)),
          pl.BlockSpec((D, D), lambda i: (0, 0)),
          pl.BlockSpec((1, D), lambda i: (0, 0)),
      ),
      out_specs=pl.BlockSpec((_BLK, D), lambda i: (i, 0)),
      out_shape=jax.ShapeDtypeStruct((N_NODES, D), jnp.float32),
  )(parts, cnts, x, W_l, b_l, W_r, lb)


def kernel(x, edge_index, W1_l, b1_l, W1_r, W2_l, b2_l, W2_r):
  ei = edge_index.astype(jnp.int32)
  pad = jnp.zeros((NS, EPT_PAD - EPT), jnp.int32)
  src = jnp.concatenate([ei[0].reshape(NS, EPT), pad], axis=1)
  src = src.reshape(NS * EPT_PAD)
  dst = jnp.concatenate([ei[1].reshape(NS, EPT), pad + N_NODES], axis=1)
  dst = dst.reshape(NS * EPT_PAD)

  Wls = jnp.stack([W1_l, W2_l])
  Wrs = jnp.stack([W1_r, W2_r])
  bs = jnp.stack([b1_l.reshape(1, D), b2_l.reshape(1, D)])
  lbs = jnp.stack([jnp.zeros((1, D), jnp.float32),
                   jnp.full((1, D), -jnp.inf, jnp.float32)])

  def layer(h, ops):
    wl, wr, b, lb = ops
    parts, cnts = _seg_sum_cnt(h, src, dst)
    h2 = _tc_layer(parts, cnts, h, wl, b, wr, lb)
    return h2, None

  out, _ = lax.scan(layer, x, (Wls, Wrs, bs, lbs))
  return out

# --- scband reference (transcript-rebuilt; emitter-appended) ---
"""Pipeline reference for scband-sage-51170240364826 (READ-ONLY COPY).

The authoritative reference and input builder live on the scoring server;
editing this copy changes nothing except your own understanding.
"""

import jax, jax.numpy as jnp
import numpy as np

N_NODES = 10000
N_EDGES = 320000
D_IN = 128
D_HID = 128
D_OUT = 128


def _sage_conv(x, edge_index, W_l, b_l, W_r):
    # PyG SAGEConv with mean aggregation:
    # out = lin_l(mean_{j in N(i)} x_j) + lin_r(x_i)
    src = edge_index[0]
    dst = edge_index[1]
    msg = jnp.take(x, src, axis=0)
    agg_sum = jax.ops.segment_sum(msg, dst, num_segments=x.shape[0])
    cnt = jax.ops.segment_sum(jnp.ones((msg.shape[0],), dtype=x.dtype), dst, num_segments=x.shape[0])
    cnt = jnp.clip(cnt, 1.0, None)
    agg_mean = agg_sum / cnt[:, None]
    return agg_mean @ W_l.T + b_l + x @ W_r.T


def setup_inputs(seed: int = 0) -> dict:
    key = jax.random.key(seed)
    k_x, k_e, k1, k2, k3, k4 = jax.random.split(key, 6)
    x = jax.random.normal(k_x, (N_NODES, D_IN), dtype=jnp.float32)
    edge_index = jax.random.randint(k_e, (2, N_EDGES), 0, N_NODES, dtype=jnp.int64)
    s1 = 1.0 / np.sqrt(D_IN)
    s2 = 1.0 / np.sqrt(D_HID)
    W1_l = jax.random.uniform(k1, (D_HID, D_IN), dtype=jnp.float32, minval=-s1, maxval=s1)
    b1_l = jnp.zeros((D_HID,), dtype=jnp.float32)
    W1_r = jax.random.uniform(k2, (D_HID, D_IN), dtype=jnp.float32, minval=-s1, maxval=s1)
    W2_l = jax.random.uniform(k3, (D_OUT, D_HID), dtype=jnp.float32, minval=-s2, maxval=s2)
    b2_l = jnp.zeros((D_OUT,), dtype=jnp.float32)
    W2_r = jax.random.uniform(k4, (D_OUT, D_HID), dtype=jnp.float32, minval=-s2, maxval=s2)
    return {
        "x": x,
        "edge_index": edge_index,
        "W1_l": W1_l,
        "b1_l": b1_l,
        "W1_r": W1_r,
        "W2_l": W2_l,
        "b2_l": b2_l,
        "W2_r": W2_r,
    }


def reference(x, edge_index, W1_l, b1_l, W1_r, W2_l, b2_l, W2_r):
    h = _sage_conv(x, edge_index, W1_l, b1_l, W1_r)
    h = jax.nn.relu(h)
    # dropout p=0.5 is identity in eval mode (training=False)
    out = _sage_conv(h, edge_index, W2_l, b2_l, W2_r)
    return out

if __name__ == "__main__":
    import jax
    _d = setup_inputs()
    print(jax.jit(kernel)(*tuple(_d.values())))

</pallas_src>

<mosaic_0001>
#map = affine_map<(d0, d1) -> (0, 0)>
#map1 = affine_map<(d0, d1) -> (0)>
#map2 = affine_map<(d0, d1) -> (0, 0, 0)>
module attributes {stable_mosaic.version = 14 : i64} {
  func.func @body(%arg0: i32, %arg1: i32, %arg2: memref<10000x128xf32, #tpu.memory_space<hbm>>, %arg3: memref<327680xi32, #tpu.memory_space<hbm>>, %arg4: memref<327680xi32, #tpu.memory_space<hbm>>, %arg5: memref<2x5120x128xf32, #tpu.memory_space<hbm>>, %arg6: memref<2x5120x16xf32, #tpu.memory_space<hbm>>, %arg7: memref<128xi32, #tpu.memory_space<vmem>>, %arg8: memref<128xi32, #tpu.memory_space<vmem>>, %arg9: memref<128x128xf32, #tpu.memory_space<vmem>>, %arg10: memref<5120x128xf32, #tpu.memory_space<vmem_shared>>, %arg11: memref<16x2x128xi32, #tpu.memory_space<vmem_shared>>, %arg12: memref<!tpu.dma_semaphore, #tpu.memory_space<semaphore_mem>>, %arg13: memref<128x16xf32, #tpu.memory_space<vmem>>, %arg14: memref<5120x16xf32, #tpu.memory_space<vmem_shared>>) attributes {dimension_semantics = [#tpu.dimension_semantics<core_parallel>, #tpu.dimension_semantics<subcore_parallel>], iteration_bounds = array<i64: 2, 16>, scalar_prefetch = 0 : i64, scratch_operands = 8 : i64, tpu.core_type = #tpu.core_type<sc_vector_subcore>, window_params = [{transform_indices = #map}, {transform_indices = #map1}, {transform_indices = #map1}, {transform_indices = #map2}, {transform_indices = #map2}]} {
    %mul3A = arith.constant 320 : i32
    %mul3A_0 = arith.muli %arg1, %mul3A : i32
    %broadcast_in_dim3A = arith.constant 0.000000e+00 : f32
    %broadcast_in_dim3A_1 = vector.broadcast %broadcast_in_dim3A : f32 to vector<16xf32>
    %broadcast_in_dim3A_2 = arith.constant 1.000000e+00 : f32
    %broadcast_in_dim3A_3 = vector.broadcast %broadcast_in_dim3A_2 : f32 to vector<16xf32>
    %scan3A = arith.constant 0 : i32
    %scan3A_4 = arith.constant 0 : i32
    %scan3A_5 = arith.constant 128 : i32
    %scan3A_6 = arith.addi %scan3A_4, %scan3A_5 : i32
    %scan3A_7 = arith.constant 1 : i32
    %scan3A_8 = scf.for %scan3A_49 = %scan3A_4 to %scan3A_6 step %scan3A_7 iter_args(%scan3A_50 = %scan3A) -> (i32)  : i32 {
      %scan3A_51 = arith.constant 0 : i32
      %scan3A_52 = arith.constant 0 : i32
      %scan3A_53 = arith.constant 8 : i32
      %scan3A_54 = arith.addi %scan3A_52, %scan3A_53 : i32
      %scan3A_55 = arith.constant 1 : i32
      %scan3A_56 = scf.for %scan3A_58 = %scan3A_52 to %scan3A_54 step %scan3A_55 iter_args(%scan3A_59 = %scan3A_51) -> (i32)  : i32 {
        %mul3A_60 = arith.constant 16 : i32
        %mul3A_61 = arith.muli %scan3A_58, %mul3A_60 : i32
        %swap3A = arith.index_cast %scan3A_49 : i32 to index
        %swap3A_62 = arith.index_cast %mul3A_61 : i32 to index
        %swap3A_63 = tpu.vector_load %arg9[%swap3A, %swap3A_62] {strides = array<i32>} : memref<128x128xf32, #tpu.memory_space<vmem>>, vector<1x16xf32>,
        %swap3A_64 = vector.shape_cast %swap3A_63 : vector<1x16xf32> to vector<16xf32>
        %swap3A_65 = vector.shape_cast %broadcast_in_dim3A_1 : vector<16xf32> to vector<1x16xf32>
        tpu.vector_store %arg9[%swap3A, %swap3A_62], %swap3A_65 {strides = array<i32>} : memref<128x128xf32, #tpu.memory_space<vmem>>, vector<1x16xf32>,
        %scan3A_66 = arith.constant 0 : i32
        scf.yield %scan3A_66 : i32
      }
      %scan3A_57 = arith.constant 8 : i32
      scf.yield %scan3A_56 : i32
    }
    %scan3A_9 = arith.constant 128 : i32
    "tpu.region"() ({
      %run_scoped3A = tpu.sem_alloc : memref<!tpu.dma_semaphore, #tpu.memory_space<semaphore_mem>>
      %dma_start3A = arith.constant 0 : i32
      %dma_start3A_49 = tpu.memref_slice %arg10[%mul3A_0, %dma_start3A] : memref<5120x128xf32, #tpu.memory_space<vmem_shared>> -> memref<128x128xf32, #tpu.memory_space<vmem_shared>>
      %dma_start3A_50 = arith.constant 0 : i32
      %dma_start3A_51 = tpu.memref_slice %arg10[%mul3A_0, %dma_start3A_50] : memref<5120x128xf32, #tpu.memory_space<vmem_shared>> -> memref<128x128xf32, #tpu.memory_space<vmem_shared>>
      tpu.enqueue_dma source(%arg9 : memref<128x128xf32, #tpu.memory_space<vmem>>) target(%dma_start3A_51 : memref<128x128xf32, #tpu.memory_space<vmem_shared>>) target_semaphore(%run_scoped3A : memref<!tpu.dma_semaphore, #tpu.memory_space<semaphore_mem>>)
      %dma_wait3A = arith.constant 0 : i32
      %dma_wait3A_52 = tpu.memref_slice %arg10[%mul3A_0, %dma_wait3A] : memref<5120x128xf32, #tpu.memory_space<vmem_shared>> -> memref<128x128xf32, #tpu.memory_space<vmem_shared>>
      %dma_wait3A_53 = arith.constant 0 : i32
      %dma_wait3A_54 = tpu.memref_slice %arg10[%mul3A_0, %dma_wait3A_53] : memref<5120x128xf32, #tpu.memory_space<vmem_shared>> -> memref<128x128xf32, #tpu.memory_space<vmem_shared>>
      tpu.wait_dma2 semaphore(%run_scoped3A : memref<!tpu.dma_semaphore, #tpu.memory_space<semaphore_mem>>) src(%arg9 : memref<128x128xf32, #tpu.memory_space<vmem>>) dst(%dma_wait3A_54 : memref<128x128xf32, #tpu.memory_space<vmem_shared>>)
      tpu.yield
    }) : () -> ()
    %add3A = arith.constant 128 : i32
    %add3A_10 = arith.addi %mul3A_0, %add3A : i32
    "tpu.region"() ({
      %run_scoped3A = tpu.sem_alloc : memref<!tpu.dma_semaphore, #tpu.memory_space<semaphore_mem>>
      %dma_start3A = arith.constant 0 : i32
      %dma_start3A_49 = tpu.memref_slice %arg10[%add3A_10, %dma_start3A] : memref<5120x128xf32, #tpu.memory_space<vmem_shared>> -> memref<128x128xf32, #tpu.memory_space<vmem_shared>>
      %dma_start3A_50 = arith.constant 0 : i32
      %dma_start3A_51 = tpu.memref_slice %arg10[%add3A_10, %dma_start3A_50] : memref<5120x128xf32, #tpu.memory_space<vmem_shared>> -> memref<128x128xf32, #tpu.memory_space<vmem_shared>>
      tpu.enqueue_dma source(%arg9 : memref<128x128xf32, #tpu.memory_space<vmem>>) target(%dma_start3A_51 : memref<128x128xf32, #tpu.memory_space<vmem_shared>>) target_semaphore(%run_scoped3A : memref<!tpu.dma_semaphore, #tpu.memory_space<semaphore_mem>>)
      %dma_wait3A = arith.constant 0 : i32
      %dma_wait3A_52 = tpu.memref_slice %arg10[%add3A_10, %dma_wait3A] : memref<5120x128xf32, #tpu.memory_space<vmem_shared>> -> memref<128x128xf32, #tpu.memory_space<vmem_shared>>
      %dma_wait3A_53 = arith.constant 0 : i32
      %dma_wait3A_54 = tpu.memref_slice %arg10[%add3A_10, %dma_wait3A_53] : memref<5120x128xf32, #tpu.memory_space<vmem_shared>> -> memref<128x128xf32, #tpu.memory_space<vmem_shared>>
      tpu.wait_dma2 semaphore(%run_scoped3A : memref<!tpu.dma_semaphore, #tpu.memory_space<semaphore_mem>>) src(%arg9 : memref<128x128xf32, #tpu.memory_space<vmem>>) dst(%dma_wait3A_54 : memref<128x128xf32, #tpu.memory_space<vmem_shared>>)
      tpu.yield
    }) : () -> ()
    %add3A_11 = arith.constant 256 : i32
    %add3A_12 = arith.addi %mul3A_0, %add3A_11 : i32
    "tpu.region"() ({
      %run_scoped3A = tpu.sem_alloc : memref<!tpu.dma_semaphore, #tpu.memory_space<semaphore_mem>>
      %dma_start3A = arith.constant 0 : i32
      %dma_start3A_49 = arith.constant 0 : i32
      %dma_start3A_50 = tpu.memref_slice %arg9[%dma_start3A, %dma_start3A_49] : memref<128x128xf32, #tpu.memory_space<vmem>> -> memref<64x128xf32, #tpu.memory_space<vmem>>
      %dma_start3A_51 = arith.constant 0 : i32
      %dma_start3A_52 = tpu.memref_slice %arg10[%add3A_12, %dma_start3A_51] : memref<5120x128xf32, #tpu.memory_space<vmem_shared>> -> memref<64x128xf32, #tpu.memory_space<vmem_shared>>
      %dma_start3A_53 = arith.constant 0 : i32
      %dma_start3A_54 = tpu.memref_slice %arg10[%add3A_12, %dma_start3A_53] : memref<5120x128xf32, #tpu.memory_space<vmem_shared>> -> memref<64x128xf32, #tpu.memory_space<vmem_shared>>
      %dma_start3A_55 = arith.constant 0 : i32
      %dma_start3A_56 = arith.constant 0 : i32
      %dma_start3A_57 = tpu.memref_slice %arg9[%dma_start3A_55, %dma_start3A_56] : memref<128x128xf32, #tpu.memory_space<vmem>> -> memref<64x128xf32, #tpu.memory_space<vmem>>
      tpu.enqueue_dma source(%dma_start3A_57 : memref<64x128xf32, #tpu.memory_space<vmem>>) target(%dma_start3A_54 : memref<64x128xf32, #tpu.memory_space<vmem_shared>>) target_semaphore(%run_scoped3A : memref<!tpu.dma_semaphore, #tpu.memory_space<semaphore_mem>>)
      %dma_wait3A = arith.constant 0 : i32
      %dma_wait3A_58 = arith.constant 0 : i32
      %dma_wait3A_59 = tpu.memref_slice %arg9[%dma_wait3A, %dma_wait3A_58] : memref<128x128xf32, #tpu.memory_space<vmem>> -> memref<64x128xf32, #tpu.memory_space<vmem>>
      %dma_wait3A_60 = arith.constant 0 : i32
      %dma_wait3A_61 = tpu.memref_slice %arg10[%add3A_12, %dma_wait3A_60] : memref<5120x128xf32, #tpu.memory_space<vmem_shared>> -> memref<64x128xf32, #tpu.memory_space<vmem_shared>>
      %dma_wait3A_62 = arith.constant 0 : i32
      %dma_wait3A_63 = tpu.memref_slice %arg10[%add3A_12, %dma_wait3A_62] : memref<5120x128xf32, #tpu.memory_space<vmem_shared>> -> memref<64x128xf32, #tpu.memory_space<vmem_shared>>
      %dma_wait3A_64 = arith.constant 0 : i32
      %dma_wait3A_65 = arith.constant 0 : i32
      %dma_wait3A_66 = tpu.memref_slice %arg9[%dma_wait3A_64, %dma_wait3A_65] : memref<128x128xf32, #tpu.memory_space<vmem>> -> memref<64x128xf32, #tpu.memory_space<vmem>>
      tpu.wait_dma2 semaphore(%run_scoped3A : memref<!tpu.dma_semaphore, #tpu.memory_space<semaphore_mem>>) src(%dma_wait3A_66 : memref<64x128xf32, #tpu.memory_space<vmem>>) dst(%dma_wait3A_63 : memref<64x128xf32, #tpu.memory_space<vmem_shared>>)
      tpu.yield
    }) : () -> ()
    %scan3A_13 = arith.constant 0 : i32
    %scan3A_14 = arith.constant 0 : i32
    %scan3A_15 = arith.constant 128 : i32
    %scan3A_16 = arith.addi %scan3A_14, %scan3A_15 : i32
    %scan3A_17 = arith.constant 1 : i32
    %scan3A_18 = scf.for %scan3A_49 = %scan3A_14 to %scan3A_16 step %scan3A_17 iter_args(%scan3A_50 = %scan3A_13) -> (i32)  : i32 {
      %swap3A = arith.index_cast %scan3A_49 : i32 to index
      %swap3A_51 = arith.constant 0 : index
      %swap3A_52 = tpu.vector_load %arg13[%swap3A, %swap3A_51] {strides = array<i32>} : memref<128x16xf32, #tpu.memory_space<vmem>>, vector<1x16xf32>,
      %swap3A_53 = vector.shape_cast %swap3A_52 : vector<1x16xf32> to vector<16xf32>
      %swap3A_54 = vector.shape_cast %broadcast_in_dim3A_1 : vector<16xf32> to vector<1x16xf32>
      tpu.vector_store %arg13[%swap3A, %swap3A_51], %swap3A_54 {strides = array<i32>} : memref<128x16xf32, #tpu.memory_space<vmem>>, vector<1x16xf32>,
      %scan3A_55 = arith.constant 0 : i32
      scf.yield %scan3A_55 : i32
    }
    %scan3A_19 = arith.constant 128 : i32
    "tpu.region"() ({
      %run_scoped3A = tpu.sem_alloc : memref<!tpu.dma_semaphore, #tpu.memory_space<semaphore_mem>>
      %dma_start3A = arith.constant 0 : i32
      %dma_start3A_49 = tpu.memref_slice %arg14[%mul3A_0, %dma_start3A] : memref<5120x16xf32, #tpu.memory_space<vmem_shared>> -> memref<128x16xf32, #tpu.memory_space<vmem_shared>>
      %dma_start3A_50 = arith.constant 0 : i32
      %dma_start3A_51 = tpu.memref_slice %arg14[%mul3A_0, %dma_start3A_50] : memref<5120x16xf32, #tpu.memory_space<vmem_shared>> -> memref<128x16xf32, #tpu.memory_space<vmem_shared>>
      tpu.enqueue_dma source(%arg13 : memref<128x16xf32, #tpu.memory_space<vmem>>) target(%dma_start3A_51 : memref<128x16xf32, #tpu.memory_space<vmem_shared>>) target_semaphore(%run_scoped3A : memref<!tpu.dma_semaphore, #tpu.memory_space<semaphore_mem>>)
      %dma_wait3A = arith.constant 0 : i32
      %dma_wait3A_52 = tpu.memref_slice %arg14[%mul3A_0, %dma_wait3A] : memref<5120x16xf32, #tpu.memory_space<vmem_shared>> -> memref<128x16xf32, #tpu.memory_space<vmem_shared>>
      %dma_wait3A_53 = arith.constant 0 : i32
      %dma_wait3A_54 = tpu.memref_slice %arg14[%mul3A_0, %dma_wait3A_53] : memref<5120x16xf32, #tpu.memory_space<vmem_shared>> -> memref<128x16xf32, #tpu.memory_space<vmem_shared>>
      tpu.wait_dma2 semaphore(%run_scoped3A : memref<!tpu.dma_semaphore, #tpu.memory_space<semaphore_mem>>) src(%arg13 : memref<128x16xf32, #tpu.memory_space<vmem>>) dst(%dma_wait3A_54 : memref<128x16xf32, #tpu.memory_space<vmem_shared>>)
      tpu.yield
    }) : () -> ()
    %add3A_20 = arith.constant 128 : i32
    %add3A_21 = arith.addi %mul3A_0, %add3A_20 : i32
    "tpu.region"() ({
      %run_scoped3A = tpu.sem_alloc : memref<!tpu.dma_semaphore, #tpu.memory_space<semaphore_mem>>
      %dma_start3A = arith.constant 0 : i32
      %dma_start3A_49 = tpu.memref_slice %arg14[%add3A_21, %dma_start3A] : memref<5120x16xf32, #tpu.memory_space<vmem_shared>> -> memref<128x16xf32, #tpu.memory_space<vmem_shared>>
      %dma_start3A_50 = arith.constant 0 : i32
      %dma_start3A_51 = tpu.memref_slice %arg14[%add3A_21, %dma_start3A_50] : memref<5120x16xf32, #tpu.memory_space<vmem_shared>> -> memref<128x16xf32, #tpu.memory_space<vmem_shared>>
      tpu.enqueue_dma source(%arg13 : memref<128x16xf32, #tpu.memory_space<vmem>>) target(%dma_start3A_51 : memref<128x16xf32, #tpu.memory_space<vmem_shared>>) target_semaphore(%run_scoped3A : memref<!tpu.dma_semaphore, #tpu.memory_space<semaphore_mem>>)
      %dma_wait3A = arith.constant 0 : i32
      %dma_wait3A_52 = tpu.memref_slice %arg14[%add3A_21, %dma_wait3A] : memref<5120x16xf32, #tpu.memory_space<vmem_shared>> -> memref<128x16xf32, #tpu.memory_space<vmem_shared>>
      %dma_wait3A_53 = arith.constant 0 : i32
      %dma_wait3A_54 = tpu.memref_slice %arg14[%add3A_21, %dma_wait3A_53] : memref<5120x16xf32, #tpu.memory_space<vmem_shared>> -> memref<128x16xf32, #tpu.memory_space<vmem_shared>>
      tpu.wait_dma2 semaphore(%run_scoped3A : memref<!tpu.dma_semaphore, #tpu.memory_space<semaphore_mem>>) src(%arg13 : memref<128x16xf32, #tpu.memory_space<vmem>>) dst(%dma_wait3A_54 : memref<128x16xf32, #tpu.memory_space<vmem_shared>>)
      tpu.yield
    }) : () -> ()
    %add3A_22 = arith.constant 256 : i32
    %add3A_23 = arith.addi %mul3A_0, %add3A_22 : i32
    "tpu.region"() ({
      %run_scoped3A = tpu.sem_alloc : memref<!tpu.dma_semaphore, #tpu.memory_space<semaphore_mem>>
      %dma_start3A = arith.constant 0 : i32
      %dma_start3A_49 = arith.constant 0 : i32
      %dma_start3A_50 = tpu.memref_slice %arg13[%dma_start3A, %dma_start3A_49] : memref<128x16xf32, #tpu.memory_space<vmem>> -> memref<64x16xf32, #tpu.memory_space<vmem>>
      %dma_start3A_51 = arith.constant 0 : i32
      %dma_start3A_52 = tpu.memref_slice %arg14[%add3A_23, %dma_start3A_51] : memref<5120x16xf32, #tpu.memory_space<vmem_shared>> -> memref<64x16xf32, #tpu.memory_space<vmem_shared>>
      %dma_start3A_53 = arith.constant 0 : i32
      %dma_start3A_54 = tpu.memref_slice %arg14[%add3A_23, %dma_start3A_53] : memref<5120x16xf32, #tpu.memory_space<vmem_shared>> -> memref<64x16xf32, #tpu.memory_space<vmem_shared>>
      %dma_start3A_55 = arith.constant 0 : i32
      %dma_start3A_56 = arith.constant 0 : i32
      %dma_start3A_57 = tpu.memref_slice %arg13[%dma_start3A_55, %dma_start3A_56] : memref<128x16xf32, #tpu.memory_space<vmem>> -> memref<64x16xf32, #tpu.memory_space<vmem>>
      tpu.enqueue_dma source(%dma_start3A_57 : memref<64x16xf32, #tpu.memory_space<vmem>>) target(%dma_start3A_54 : memref<64x16xf32, #tpu.memory_space<vmem_shared>>) target_semaphore(%run_scoped3A : memref<!tpu.dma_semaphore, #tpu.memory_space<semaphore_mem>>)
      %dma_wait3A = arith.constant 0 : i32
      %dma_wait3A_58 = arith.constant 0 : i32
      %dma_wait3A_59 = tpu.memref_slice %arg13[%dma_wait3A, %dma_wait3A_58] : memref<128x16xf32, #tpu.memory_space<vmem>> -> memref<64x16xf32, #tpu.memory_space<vmem>>
      %dma_wait3A_60 = arith.constant 0 : i32
      %dma_wait3A_61 = tpu.memref_slice %arg14[%add3A_23, %dma_wait3A_60] : memref<5120x16xf32, #tpu.memory_space<vmem_shared>> -> memref<64x16xf32, #tpu.memory_space<vmem_shared>>
      %dma_wait3A_62 = arith.constant 0 : i32
      %dma_wait3A_63 = tpu.memref_slice %arg14[%add3A_23, %dma_wait3A_62] : memref<5120x16xf32, #tpu.memory_space<vmem_shared>> -> memref<64x16xf32, #tpu.memory_space<vmem_shared>>
      %dma_wait3A_64 = arith.constant 0 : i32
      %dma_wait3A_65 = arith.constant 0 : i32
      %dma_wait3A_66 = tpu.memref_slice %arg13[%dma_wait3A_64, %dma_wait3A_65] : memref<128x16xf32, #tpu.memory_space<vmem>> -> memref<64x16xf32, #tpu.memory_space<vmem>>
      tpu.wait_dma2 semaphore(%run_scoped3A : memref<!tpu.dma_semaphore, #tpu.memory_space<semaphore_mem>>) src(%dma_wait3A_66 : memref<64x16xf32, #tpu.memory_space<vmem>>) dst(%dma_wait3A_63 : memref<64x16xf32, #tpu.memory_space<vmem_shared>>)
      tpu.yield
    }) : () -> ()
    %scan3A_24 = arith.constant 0 : i32
    %scan3A_25 = arith.constant 0 : i32
    %scan3A_26 = arith.constant 128 : i32
    %scan3A_27 = arith.addi %scan3A_25, %scan3A_26 : i32
    %scan3A_28 = arith.constant 1 : i32
    %scan3A_29 = scf.for %scan3A_49 = %scan3A_25 to %scan3A_27 step %scan3A_28 iter_args(%scan3A_50 = %scan3A_24) -> (i32)  : i32 {
      %swap3A = arith.index_cast %scan3A_49 : i32 to index
      %swap3A_51 = arith.constant 0 : index
      %swap3A_52 = tpu.vector_load %arg13[%swap3A, %swap3A_51] {strides = array<i32>} : memref<128x16xf32, #tpu.memory_space<vmem>>, vector<1x16xf32>,
      %swap3A_53 = vector.shape_cast %swap3A_52 : vector<1x16xf32> to vector<16xf32>
      %swap3A_54 = vector.shape_cast %broadcast_in_dim3A_3 : vector<16xf32> to vector<1x16xf32>
      tpu.vector_store %arg13[%swap3A, %swap3A_51], %swap3A_54 {strides = array<i32>} : memref<128x16xf32, #tpu.memory_space<vmem>>, vector<1x16xf32>,
      %scan3A_55 = arith.constant 0 : i32
      scf.yield %scan3A_55 : i32
    }
    %scan3A_30 = arith.constant 128 : i32
    %mul3A_31 = arith.constant 5000 : i32
    %mul3A_32 = arith.muli %arg0, %mul3A_31 : i32
    %broadcast_in_dim3A_33 = vector.broadcast %mul3A_32 : i32 to vector<16xi32>
    %broadcast_in_dim3A_34 = arith.constant 0 : i32
    %broadcast_in_dim3A_35 = vector.broadcast %broadcast_in_dim3A_34 : i32 to vector<16xi32>
    %broadcast_in_dim3A_36 = arith.constant 5000 : i32
    %broadcast_in_dim3A_37 = vector.broadcast %broadcast_in_dim3A_36 : i32 to vector<16xi32>
    %add3A_38 = arith.constant 5000 : i32
    %add3A_39 = arith.addi %add3A_38, %arg1 : i32
    %broadcast_in_dim3A_40 = vector.broadcast %add3A_39 : i32 to vector<16xi32>
    %barrier3A = arith.constant 0 : index
    tpu.barrier barrier_id(%barrier3A)
    %scan3A_41 = arith.constant 0 : i32
    %scan3A_42 = arith.constant 0 : i32
    %scan3A_43 = arith.constant 160 : i32
    %scan3A_44 = arith.addi %scan3A_42, %scan3A_43 : i32
    %scan3A_45 = arith.constant 1 : i32
    %scan3A_46 = scf.for %scan3A_49 = %scan3A_42 to %scan3A_44 step %scan3A_45 iter_args(%scan3A_50 = %scan3A_41) -> (i32)  : i32 {
      %mul3A_51 = arith.constant 128 : i32
      %mul3A_52 = arith.muli %scan3A_49, %mul3A_51 : i32
      %mul3A_53 = arith.constant 20480 : i32
      %mul3A_54 = arith.muli %arg1, %mul3A_53 : i32
      %add3A_55 = arith.addi %mul3A_54, %mul3A_52 : i32
      %run_scoped3A = arith.constant 0 : i32
      "tpu.region"() ({
        %run_scoped3A_70 = tpu.sem_alloc : memref<!tpu.dma_semaphore, #tpu.memory_space<semaphore_mem>>
        %dma_start3A = arith.constant 0 : i32
        %dma_start3A_71 = tpu.memref_slice %arg11[%arg1, %run_scoped3A, %dma_start3A] : memref<16x2x128xi32, #tpu.memory_space<vmem_shared>> -> memref<1x1x128xi32, #tpu.memory_space<vmem_shared>>
        %dma_start3A_72 = tpu.memref_squeeze %dma_start3A_71 : memref<1x1x128xi32, #tpu.memory_space<vmem_shared>> -> memref<128xi32, #tpu.memory_space<vmem_shared>>
        %dma_start3A_73 = tpu.memref_slice %arg3[%add3A_55] : memref<327680xi32, #tpu.memory_space<hbm>> -> memref<128xi32, #tpu.memory_space<hbm>>
        tpu.enqueue_dma source(%dma_start3A_73 : memref<128xi32, #tpu.memory_space<hbm>>) target(%dma_start3A_72 : memref<128xi32, #tpu.memory_space<vmem_shared>>) target_semaphore(%run_scoped3A_70 : memref<!tpu.dma_semaphore, #tpu.memory_space<semaphore_mem>>)
        %dma_wait3A = arith.constant 0 : i32
        %dma_wait3A_74 = tpu.memref_slice %arg11[%arg1, %run_scoped3A, %dma_wait3A] : memref<16x2x128xi32, #tpu.memory_space<vmem_shared>> -> memref<1x1x128xi32, #tpu.memory_space<vmem_shared>>
        %dma_wait3A_75 = tpu.memref_squeeze %dma_wait3A_74 : memref<1x1x128xi32, #tpu.memory_space<vmem_shared>> -> memref<128xi32, #tpu.memory_space<vmem_shared>>
        %dma_wait3A_76 = tpu.memref_slice %arg3[%add3A_55] : memref<327680xi32, #tpu.memory_space<hbm>> -> memref<128xi32, #tpu.memory_space<hbm>>
        tpu.wait_dma2 semaphore(%run_scoped3A_70 : memref<!tpu.dma_semaphore, #tpu.memory_space<semaphore_mem>>) src(%dma_wait3A_76 : memref<128xi32, #tpu.memory_space<hbm>>) dst(%dma_wait3A_75 : memref<128xi32, #tpu.memory_space<vmem_shared>>)
        tpu.yield
      }) : () -> ()
      %mul3A_56 = arith.constant 20480 : i32
      %mul3A_57 = arith.muli %arg1, %mul3A_56 : i32
      %add3A_58 = arith.addi %mul3A_57, %mul3A_52 : i32
      %run_scoped3A_59 = arith.constant 1 : i32
      "tpu.region"() ({
        %run_scoped3A_70 = tpu.sem_alloc : memref<!tpu.dma_semaphore, #tpu.memory_space<semaphore_mem>>
        %dma_start3A = arith.constant 0 : i32
        %dma_start3A_71 = tpu.memref_slice %arg11[%arg1, %run_scoped3A_59, %dma_start3A] : memref<16x2x128xi32, #tpu.memory_space<vmem_shared>> -> memref<1x1x128xi32, #tpu.memory_space<vmem_shared>>
        %dma_start3A_72 = tpu.memref_squeeze %dma_start3A_71 : memref<1x1x128xi32, #tpu.memory_space<vmem_shared>> -> memref<128xi32, #tpu.memory_space<vmem_shared>>
        %dma_start3A_73 = tpu.memref_slice %arg4[%add3A_58] : memref<327680xi32, #tpu.memory_space<hbm>> -> memref<128xi32, #tpu.memory_space<hbm>>
        tpu.enqueue_dma source(%dma_start3A_73 : memref<128xi32, #tpu.memory_space<hbm>>) target(%dma_start3A_72 : memref<128xi32, #tpu.memory_space<vmem_shared>>) target_semaphore(%run_scoped3A_70 : memref<!tpu.dma_semaphore, #tpu.memory_space<semaphore_mem>>)
        %dma_wait3A = arith.constant 0 : i32
        %dma_wait3A_74 = tpu.memref_slice %arg11[%arg1, %run_scoped3A_59, %dma_wait3A] : memref<16x2x128xi32, #tpu.memory_space<vmem_shared>> -> memref<1x1x128xi32, #tpu.memory_space<vmem_shared>>
        %dma_wait3A_75 = tpu.memref_squeeze %dma_wait3A_74 : memref<1x1x128xi32, #tpu.memory_space<vmem_shared>> -> memref<128xi32, #tpu.memory_space<vmem_shared>>
        %dma_wait3A_76 = tpu.memref_slice %arg4[%add3A_58] : memref<327680xi32, #tpu.memory_space<hbm>> -> memref<128xi32, #tpu.memory_space<hbm>>
        tpu.wait_dma2 semaphore(%run_scoped3A_70 : memref<!tpu.dma_semaphore, #tpu.memory_space<semaphore_mem>>) src(%dma_wait3A_76 : memref<128xi32, #tpu.memory_space<hbm>>) dst(%dma_wait3A_75 : memref<128xi32, #tpu.memory_space<vmem_shared>>)
        tpu.yield
      }) : () -> ()
      %run_scoped3A_60 = arith.constant 0 : i32
      "tpu.region"() ({
        %run_scoped3A_70 = tpu.sem_alloc : memref<!tpu.dma_semaphore, #tpu.memory_space<semaphore_mem>>
        %dma_start3A = arith.constant 0 : i32
        %dma_start3A_71 = tpu.memref_slice %arg11[%arg1, %run_scoped3A_60, %dma_start3A] : memref<16x2x128xi32, #tpu.memory_space<vmem_shared>> -> memref<1x1x128xi32, #tpu.memory_space<vmem_shared>>
        %dma_start3A_72 = tpu.memref_squeeze %dma_start3A_71 : memref<1x1x128xi32, #tpu.memory_space<vmem_shared>> -> memref<128xi32, #tpu.memory_space<vmem_shared>>
        %dma_start3A_73 = arith.constant 0 : i32
        %dma_start3A_74 = tpu.memref_slice %arg11[%arg1, %run_scoped3A_60, %dma_start3A_73] : memref<16x2x128xi32, #tpu.memory_space<vmem_shared>> -> memref<1x1x128xi32, #tpu.memory_space<vmem_shared>>
        %dma_start3A_75 = tpu.memref_squeeze %dma_start3A_74 : memref<1x1x128xi32, #tpu.memory_space<vmem_shared>> -> memref<128xi32, #tpu.memory_space<vmem_shared>>
        tpu.enqueue_dma source(%dma_start3A_75 : memref<128xi32, #tpu.memory_space<vmem_shared>>) target(%arg7 : memref<128xi32, #tpu.memory_space<vmem>>) target_semaphore(%run_scoped3A_70 : memref<!tpu.dma_semaphore, #tpu.memory_space<semaphore_mem>>)
        %dma_wait3A = arith.constant 0 : i32
        %dma_wait3A_76 = tpu.memref_slice %arg11[%arg1, %run_scoped3A_60, %dma_wait3A] : memref<16x2x128xi32, #tpu.memory_space<vmem_shared>> -> memref<1x1x128xi32, #tpu.memory_space<vmem_shared>>
        %dma_wait3A_77 = tpu.memref_squeeze %dma_wait3A_76 : memref<1x1x128xi32, #tpu.memory_space<vmem_shared>> -> memref<128xi32, #tpu.memory_space<vmem_shared>>
        %dma_wait3A_78 = arith.constant 0 : i32
        %dma_wait3A_79 = tpu.memref_slice %arg11[%arg1, %run_scoped3A_60, %dma_wait3A_78] : memref<16x2x128xi32, #tpu.memory_space<vmem_shared>> -> memref<1x1x128xi32, #tpu.memory_space<vmem_shared>>
        %dma_wait3A_80 = tpu.memref_squeeze %dma_wait3A_79 : memref<1x1x128xi32, #tpu.memory_space<vmem_shared>> -> memref<128xi32, #tpu.memory_space<vmem_shared>>
        tpu.wait_dma2 semaphore(%run_scoped3A_70 : memref<!tpu.dma_semaphore, #tpu.memory_space<semaphore_mem>>) src(%dma_wait3A_80 : memref<128xi32, #tpu.memory_space<vmem_shared>>) dst(%arg7 : memref<128xi32, #tpu.memory_space<vmem>>)
        tpu.yield
      }) : () -> ()
      %run_scoped3A_61 = arith.constant 1 : i32
      "tpu.region"() ({
        %run_scoped3A_70 = tpu.sem_alloc : memref<!tpu.dma_semaphore, #tpu.memory_space<semaphore_mem>>
        %dma_start3A = arith.constant 0 : i32
        %dma_start3A_71 = tpu.memref_slice %arg11[%arg1, %run_scoped3A_61, %dma_start3A] : memref<16x2x128xi32, #tpu.memory_space<vmem_shared>> -> memref<1x1x128xi32, #tpu.memory_space<vmem_shared>>
        %dma_start3A_72 = tpu.memref_squeeze %dma_start3A_71 : memref<1x1x128xi32, #tpu.memory_space<vmem_shared>> -> memref<128xi32, #tpu.memory_space<vmem_shared>>
        %dma_start3A_73 = arith.constant 0 : i32
        %dma_start3A_74 = tpu.memref_slice %arg11[%arg1, %run_scoped3A_61, %dma_start3A_73] : memref<16x2x128xi32, #tpu.memory_space<vmem_shared>> -> memref<1x1x128xi32, #tpu.memory_space<vmem_shared>>
        %dma_start3A_75 = tpu.memref_squeeze %dma_start3A_74 : memref<1x1x128xi32, #tpu.memory_space<vmem_shared>> -> memref<128xi32, #tpu.memory_space<vmem_shared>>
        tpu.enqueue_dma source(%dma_start3A_75 : memref<128xi32, #tpu.memory_space<vmem_shared>>) target(%arg8 : memref<128xi32, #tpu.memory_space<vmem>>) target_semaphore(%run_scoped3A_70 : memref<!tpu.dma_semaphore, #tpu.memory_space<semaphore_mem>>)
        %dma_wait3A = arith.constant 0 : i32
        %dma_wait3A_76 = tpu.memref_slice %arg11[%arg1, %run_scoped3A_61, %dma_wait3A] : memref<16x2x128xi32, #tpu.memory_space<vmem_shared>> -> memref<1x1x128xi32, #tpu.memory_space<vmem_shared>>
        %dma_wait3A_77 = tpu.memref_squeeze %dma_wait3A_76 : memref<1x1x128xi32, #tpu.memory_space<vmem_shared>> -> memref<128xi32, #tpu.memory_space<vmem_shared>>
        %dma_wait3A_78 = arith.constant 0 : i32
        %dma_wait3A_79 = tpu.memref_slice %arg11[%arg1, %run_scoped3A_61, %dma_wait3A_78] : memref<16x2x128xi32, #tpu.memory_space<vmem_shared>> -> memref<1x1x128xi32, #tpu.memory_space<vmem_shared>>
        %dma_wait3A_80 = tpu.memref_squeeze %dma_wait3A_79 : memref<1x1x128xi32, #tpu.memory_space<vmem_shared>> -> memref<128xi32, #tpu.memory_space<vmem_shared>>
        tpu.wait_dma2 semaphore(%run_scoped3A_70 : memref<!tpu.dma_semaphore, #tpu.memory_space<semaphore_mem>>) src(%dma_wait3A_80 : memref<128xi32, #tpu.memory_space<vmem_shared>>) dst(%arg8 : memref<128xi32, #tpu.memory_space<vmem>>)
        tpu.yield
      }) : () -> ()
      %scan3A_62 = arith.constant 0 : i32
      %scan3A_63 = arith.constant 0 : i32
      %scan3A_64 = arith.constant 8 : i32
      %scan3A_65 = arith.addi %scan3A_63, %scan3A_64 : i32
      %scan3A_66 = arith.constant 1 : i32
      %scan3A_67 = scf.for %scan3A_70 = %scan3A_63 to %scan3A_65 step %scan3A_66 iter_args(%scan3A_71 = %scan3A_62) -> (i32)  : i32 {
        %mul3A_72 = arith.constant 16 : i32
        %mul3A_73 = arith.muli %scan3A_70, %mul3A_72 : i32
        %get3A = arith.index_cast %mul3A_73 : i32 to index
        %get3A_74 = tpu.vector_load %arg8[%get3A] {strides = array<i32>} : memref<128xi32, #tpu.memory_space<vmem>>, vector<16xi32>,
        %get3A_75 = vector.shape_cast %get3A_74 : vector<16xi32> to vector<16xi32>
        %sub3A = arith.subi %get3A_75, %broadcast_in_dim3A_33 : vector<16xi32>
        %ge3A = arith.cmpi sge, %sub3A, %broadcast_in_dim3A_35 : vector<16xi32>
        %lt3A = arith.cmpi slt, %sub3A, %broadcast_in_dim3A_37 : vector<16xi32>
        %and3A = arith.andi %ge3A, %lt3A : vector<16xi1>
        %select_n3A = arith.select %and3A, %sub3A, %broadcast_in_dim3A_40 : vector<16xi1>, vector<16xi32>
        %swap3A = arith.index_cast %mul3A_73 : i32 to index
        %swap3A_76 = tpu.vector_load %arg8[%swap3A] {strides = array<i32>} : memref<128xi32, #tpu.memory_space<vmem>>, vector<16xi32>,
        %swap3A_77 = vector.shape_cast %swap3A_76 : vector<16xi32> to vector<16xi32>
        %swap3A_78 = vector.shape_cast %select_n3A : vector<16xi32> to vector<16xi32>
        tpu.vector_store %arg8[%swap3A], %swap3A_78 {strides = array<i32>} : memref<128xi32, #tpu.memory_space<vmem>>, vector<16xi32>,
        %get3A_79 = arith.index_cast %mul3A_73 : i32 to index
        %get3A_80 = tpu.vector_load %arg7[%get3A_79] {strides = array<i32>} : memref<128xi32, #tpu.memory_space<vmem>>, vector<16xi32>,
        %get3A_81 = vector.shape_cast %get3A_80 : vector<16xi32> to vector<16xi32>
        %select_n3A_82 = arith.select %and3A, %get3A_81, %broadcast_in_dim3A_35 : vector<16xi1>, vector<16xi32>
        %swap3A_83 = arith.index_cast %mul3A_73 : i32 to index
        %swap3A_84 = tpu.vector_load %arg7[%swap3A_83] {strides = array<i32>} : memref<128xi32, #tpu.memory_space<vmem>>, vector<16xi32>,
        %swap3A_85 = vector.shape_cast %swap3A_84 : vector<16xi32> to vector<16xi32>
        %swap3A_86 = vector.shape_cast %select_n3A_82 : vector<16xi32> to vector<16xi32>
        tpu.vector_store %arg7[%swap3A_83], %swap3A_86 {strides = array<i32>} : memref<128xi32, #tpu.memory_space<vmem>>, vector<16xi32>,
        %scan3A_87 = arith.constant 0 : i32
        scf.yield %scan3A_87 : i32
      }
      %scan3A_68 = arith.constant 8 : i32
      "tpu.region"() ({
        %run_scoped3A_70 = tpu.sem_alloc : memref<!tpu.dma_semaphore, #tpu.memory_space<semaphore_mem>>
        %dma_start3A = arith.constant 0 : i32
        %dma_start3A_71 = arith.constant 0 : i32
        %dma_start3A_72 = tpu.memref_slice %arg2[%dma_start3A, %dma_start3A_71] : memref<10000x128xf32, #tpu.memory_space<hbm>> -> memref<10000x128xf32, #tpu.memory_space<hbm>>
        tpu.enqueue_indirect_dma source(%dma_start3A_72 : memref<10000x128xf32, #tpu.memory_space<hbm>>) target(%arg9 : memref<128x128xf32, #tpu.memory_space<vmem>>) offsets(%arg7 : memref<128xi32, #tpu.memory_space<vmem>>) semaphore(%run_scoped3A_70 : memref<!tpu.dma_semaphore, #tpu.memory_space<semaphore_mem>>)
        %dma_wait3A = arith.constant 0 : i32
        %dma_wait3A_73 = arith.constant 0 : i32
        %dma_wait3A_74 = tpu.memref_slice %arg2[%dma_wait3A, %dma_wait3A_73] : memref<10000x128xf32, #tpu.memory_space<hbm>> -> memref<10000x128xf32, #tpu.memory_space<hbm>>
        tpu.wait_indirect_dma semaphore(%run_scoped3A_70 : memref<!tpu.dma_semaphore, #tpu.memory_space<semaphore_mem>>) src(%dma_wait3A_74 : memref<10000x128xf32, #tpu.memory_space<hbm>>) dst(%arg9 : memref<128x128xf32, #tpu.memory_space<vmem>>)
        tpu.yield
      }) : () -> ()
      "tpu.region"() ({
        %run_scoped3A_70 = tpu.sem_alloc : memref<!tpu.dma_semaphore, #tpu.memory_space<semaphore_mem>>
        %dma_start3A = arith.constant 0 : i32
        %dma_start3A_71 = arith.constant 0 : i32
        %dma_start3A_72 = tpu.memref_slice %arg10[%dma_start3A, %dma_start3A_71] : memref<5120x128xf32, #tpu.memory_space<vmem_shared>> -> memref<5120x128xf32, #tpu.memory_space<vmem_shared>>
        tpu.enqueue_indirect_dma source(%arg9 : memref<128x128xf32, #tpu.memory_space<vmem>>) target(%dma_start3A_72 : memref<5120x128xf32, #tpu.memory_space<vmem_shared>>) offsets(%arg8 : memref<128xi32, #tpu.memory_space<vmem>>) semaphore(%run_scoped3A_70 : memref<!tpu.dma_semaphore, #tpu.memory_space<semaphore_mem>>) {add = true}
        %dma_wait3A = arith.constant 0 : i32
        %dma_wait3A_73 = arith.constant 0 : i32
        %dma_wait3A_74 = tpu.memref_slice %arg10[%dma_wait3A, %dma_wait3A_73] : memref<5120x128xf32, #tpu.memory_space<vmem_shared>> -> memref<5120x128xf32, #tpu.memory_space<vmem_shared>>
        tpu.wait_indirect_dma semaphore(%run_scoped3A_70 : memref<!tpu.dma_semaphore, #tpu.memory_space<semaphore_mem>>) src(%arg9 : memref<128x128xf32, #tpu.memory_space<vmem>>) dst(%dma_wait3A_74 : memref<5120x128xf32, #tpu.memory_space<vmem_shared>>)
        tpu.yield
      }) : () -> ()
      "tpu.region"() ({
        %run_scoped3A_70 = tpu.sem_alloc : memref<!tpu.dma_semaphore, #tpu.memory_space<semaphore_mem>>
        %dma_start3A = arith.constant 0 : i32
        %dma_start3A_71 = arith.constant 0 : i32
        %dma_start3A_72 = tpu.memref_slice %arg14[%dma_start3A, %dma_start3A_71] : memref<5120x16xf32, #tpu.memory_space<vmem_shared>> -> memref<5120x16xf32, #tpu.memory_space<vmem_shared>>
        tpu.enqueue_indirect_dma source(%arg13 : memref<128x16xf32, #tpu.memory_space<vmem>>) target(%dma_start3A_72 : memref<5120x16xf32, #tpu.memory_space<vmem_shared>>) offsets(%arg8 : memref<128xi32, #tpu.memory_space<vmem>>) semaphore(%run_scoped3A_70 : memref<!tpu.dma_semaphore, #tpu.memory_space<semaphore_mem>>) {add = true}
        %dma_wait3A = arith.constant 0 : i32
        %dma_wait3A_73 = arith.constant 0 : i32
        %dma_wait3A_74 = tpu.memref_slice %arg14[%dma_wait3A, %dma_wait3A_73] : memref<5120x16xf32, #tpu.memory_space<vmem_shared>> -> memref<5120x16xf32, #tpu.memory_space<vmem_shared>>
        tpu.wait_indirect_dma semaphore(%run_scoped3A_70 : memref<!tpu.dma_semaphore, #tpu.memory_space<semaphore_mem>>) src(%arg13 : memref<128x16xf32, #tpu.memory_space<vmem>>) dst(%dma_wait3A_74 : memref<5120x16xf32, #tpu.memory_space<vmem_shared>>)
        tpu.yield
      }) : () -> ()
      %scan3A_69 = arith.constant 0 : i32
      scf.yield %scan3A_69 : i32
    }
    %scan3A_47 = arith.constant 160 : i32
    %barrier3A_48 = arith.constant 0 : index
    tpu.barrier barrier_id(%barrier3A_48)
    "tpu.region"() ({
      %run_scoped3A = tpu.sem_alloc : memref<!tpu.dma_semaphore, #tpu.memory_space<semaphore_mem>>
      %dma_start3A = arith.constant 0 : i32
      %dma_start3A_49 = tpu.memref_slice %arg5[%arg0, %mul3A_0, %dma_start3A] : memref<2x5120x128xf32, #tpu.memory_space<hbm>> -> memref<1x320x128xf32, #tpu.memory_space<hbm>>
      %dma_start3A_50 = tpu.memref_squeeze %dma_start3A_49 : memref<1x320x128xf32, #tpu.memory_space<hbm>> -> memref<320x128xf32, #tpu.memory_space<hbm>>
      %dma_start3A_51 = arith.constant 0 : i32
      %dma_start3A_52 = tpu.memref_slice %arg10[%mul3A_0, %dma_start3A_51] : memref<5120x128xf32, #tpu.memory_space<vmem_shared>> -> memref<320x128xf32, #tpu.memory_space<vmem_shared>>
      tpu.enqueue_dma source(%dma_start3A_52 : memref<320x128xf32, #tpu.memory_space<vmem_shared>>) target(%dma_start3A_50 : memref<320x128xf32, #tpu.memory_space<hbm>>) target_semaphore(%run_scoped3A : memref<!tpu.dma_semaphore, #tpu.memory_space<semaphore_mem>>)
      %dma_wait3A = arith.constant 0 : i32
      %dma_wait3A_53 = tpu.memref_slice %arg5[%arg0, %mul3A_0, %dma_wait3A] : memref<2x5120x128xf32, #tpu.memory_space<hbm>> -> memref<1x320x128xf32, #tpu.memory_space<hbm>>
      %dma_wait3A_54 = tpu.memref_squeeze %dma_wait3A_53 : memref<1x320x128xf32, #tpu.memory_space<hbm>> -> memref<320x128xf32, #tpu.memory_space<hbm>>
      %dma_wait3A_55 = arith.constant 0 : i32
      %dma_wait3A_56 = tpu.memref_slice %arg10[%mul3A_0, %dma_wait3A_55] : memref<5120x128xf32, #tpu.memory_space<vmem_shared>> -> memref<320x128xf32, #tpu.memory_space<vmem_shared>>
      tpu.wait_dma2 semaphore(%run_scoped3A : memref<!tpu.dma_semaphore, #tpu.memory_space<semaphore_mem>>) src(%dma_wait3A_56 : memref<320x128xf32, #tpu.memory_space<vmem_shared>>) dst(%dma_wait3A_54 : memref<320x128xf32, #tpu.memory_space<hbm>>)
      tpu.yield
    }) : () -> ()
    "tpu.region"() ({
      %run_scoped3A = tpu.sem_alloc : memref<!tpu.dma_semaphore, #tpu.memory_space<semaphore_mem>>
      %dma_start3A = arith.constant 0 : i32
      %dma_start3A_49 = tpu.memref_slice %arg6[%arg0, %mul3A_0, %dma_start3A] : memref<2x5120x16xf32, #tpu.memory_space<hbm>> -> memref<1x320x16xf32, #tpu.memory_space<hbm>>
      %dma_start3A_50 = tpu.memref_squeeze %dma_start3A_49 : memref<1x320x16xf32, #tpu.memory_space<hbm>> -> memref<320x16xf32, #tpu.memory_space<hbm>>
      %dma_start3A_51 = arith.constant 0 : i32
      %dma_start3A_52 = tpu.memref_slice %arg14[%mul3A_0, %dma_start3A_51] : memref<5120x16xf32, #tpu.memory_space<vmem_shared>> -> memref<320x16xf32, #tpu.memory_space<vmem_shared>>
      tpu.enqueue_dma source(%dma_start3A_52 : memref<320x16xf32, #tpu.memory_space<vmem_shared>>) target(%dma_start3A_50 : memref<320x16xf32, #tpu.memory_space<hbm>>) target_semaphore(%run_scoped3A : memref<!tpu.dma_semaphore, #tpu.memory_space<semaphore_mem>>)
      %dma_wait3A = arith.constant 0 : i32
      %dma_wait3A_53 = tpu.memref_slice %arg6[%arg0, %mul3A_0, %dma_wait3A] : memref<2x5120x16xf32, #tpu.memory_space<hbm>> -> memref<1x320x16xf32, #tpu.memory_space<hbm>>
      %dma_wait3A_54 = tpu.memref_squeeze %dma_wait3A_53 : memref<1x320x16xf32, #tpu.memory_space<hbm>> -> memref<320x16xf32, #tpu.memory_space<hbm>>
      %dma_wait3A_55 = arith.constant 0 : i32
      %dma_wait3A_56 = tpu.memref_slice %arg14[%mul3A_0, %dma_wait3A_55] : memref<5120x16xf32, #tpu.memory_space<vmem_shared>> -> memref<320x16xf32, #tpu.memory_space<vmem_shared>>
      tpu.wait_dma2 semaphore(%run_scoped3A : memref<!tpu.dma_semaphore, #tpu.memory_space<semaphore_mem>>) src(%dma_wait3A_56 : memref<320x16xf32, #tpu.memory_space<vmem_shared>>) dst(%dma_wait3A_54 : memref<320x16xf32, #tpu.memory_space<hbm>>)
      tpu.yield
    }) : () -> ()
    return
  }
}

module attributes {stable_mosaic.version = 14 : i64} {
  func.func @_tc_layer_body(%arg0: i32, %arg1: memref<1x1000x128xf32, #tpu.memory_space<vmem>>, %arg2: memref<1x1000x16xf32, #tpu.memory_space<vmem>>, %arg3: memref<1000x128xf32, #tpu.memory_space<vmem>>, %arg4: memref<128x128xf32, #tpu.memory_space<vmem>>, %arg5: memref<1x128xf32, #tpu.memory_space<vmem>>, %arg6: memref<128x128xf32, #tpu.memory_space<vmem>>, %arg7: memref<1x128xf32, #tpu.memory_space<vmem>>, %arg8: memref<1000x128xf32, #tpu.memory_space<vmem>>) attributes {dimension_semantics = [#tpu.dimension_semantics<arbitrary>], iteration_bounds = array<i64: 10>, scalar_prefetch = 0 : i64, scratch_operands = 0 : i64, tpu.core_type = #tpu.core_type<tc>, window_params = [{transform_indices = @transform_0, window_bounds = array<i64: 1, 1000, 128>}, {transform_indices = @transform_1, window_bounds = array<i64: 1, 1000, 16>}, {transform_indices = @transform_2, window_bounds = array<i64: 1000, 128>}, {pipeline_mode = #tpu.pipeline_mode<synchronous>, transform_indices = @transform_3, window_bounds = array<i64: 128, 128>}, {pipeline_mode = #tpu.pipeline_mode<synchronous>, transform_indices = @transform_4, window_bounds = array<i64: 1, 128>}, {pipeline_mode = #tpu.pipeline_mode<synchronous>, transform_indices = @transform_5, window_bounds = array<i64: 128, 128>}, {pipeline_mode = #tpu.pipeline_mode<synchronous>, transform_indices = @transform_6, window_bounds = array<i64: 1, 128>}, {transform_indices = @transform_7, window_bounds = array<i64: 1000, 128>}]} {
    %get3A = arith.constant 0 : index
    %get3A_0 = arith.constant 0 : index
    %get3A_1 = arith.constant 0 : index
    %get3A_2 = vector.load %arg2[%get3A, %get3A_0, %get3A_1] : memref<1x1000x16xf32, #tpu.memory_space<vmem>>, vector<1x1000x1xf32>
    %get3A_3 = vector.shape_cast %get3A_2 : vector<1x1000x1xf32> to vector<1000x1xf32>
    %max3A = arith.constant 1.000000e+00 : f32
    %max3A_4 = vector.broadcast %max3A : f32 to vector<1000x1xf32>
    %max3A_5 = arith.maximumf %get3A_3, %max3A_4 : vector<1000x1xf32>
    %get3A_6 = arith.constant 0 : index
    %get3A_7 = arith.constant 0 : index
    %get3A_8 = arith.constant 0 : index
    %get3A_9 = vector.load %arg1[%get3A_6, %get3A_7, %get3A_8] : memref<1x1000x128xf32, #tpu.memory_space<vmem>>, vector<1x1000x128xf32>
    %get3A_10 = vector.shape_cast %get3A_9 : vector<1x1000x128xf32> to vector<1000x128xf32>
    %div3A = vector.broadcast %max3A_5 : vector<1000x1xf32> to vector<1000x128xf32>
    %div3A_11 = arith.divf %get3A_10, %div3A : vector<1000x128xf32>
    %get3A_12 = arith.constant 0 : index
    %get3A_13 = arith.constant 0 : index
    %get3A_14 = vector.load %arg4[%get3A_12, %get3A_13] : memref<128x128xf32, #tpu.memory_space<vmem>>, vector<128x128xf32>
    %dot_general3A = arith.constant dense<0.000000e+00> : vector<1000x128xf32>
    %dot_general3A_15 = tpu.matmul %div3A_11, %get3A_14, %dot_general3A {dimension_numbers = #tpu.dot_dimension_numbers<[1], [1], [0], [0], [0, 0, 1, 0], [], []>, transpose_lhs_hint = false} : vector<1000x128xf32>, vector<128x128xf32>, vector<1000x128xf32> -> vector<1000x128xf32>
    %get3A_16 = arith.constant 0 : index
    %get3A_17 = arith.constant 0 : index
    %get3A_18 = vector.load %arg3[%get3A_16, %get3A_17] : memref<1000x128xf32, #tpu.memory_space<vmem>>, vector<1000x128xf32>
    %get3A_19 = arith.constant 0 : index
    %get3A_20 = arith.constant 0 : index
    %get3A_21 = vector.load %arg6[%get3A_19, %get3A_20] : memref<128x128xf32, #tpu.memory_space<vmem>>, vector<128x128xf32>
    %dot_general3A_22 = arith.constant dense<0.000000e+00> : vector<1000x128xf32>
    %dot_general3A_23 = tpu.matmul %get3A_18, %get3A_21, %dot_general3A_22 {dimension_numbers = #tpu.dot_dimension_numbers<[1], [1], [0], [0], [0, 0, 1, 0], [], []>, transpose_lhs_hint = false} : vector<1000x128xf32>, vector<128x128xf32>, vector<1000x128xf32> -> vector<1000x128xf32>
    %add3A = arith.addf %dot_general3A_15, %dot_general3A_23 : vector<1000x128xf32>
    %get3A_24 = arith.constant 0 : index
    %get3A_25 = arith.constant 0 : index
    %get3A_26 = vector.load %arg5[%get3A_24, %get3A_25] : memref<1x128xf32, #tpu.memory_space<vmem>>, vector<1x128xf32>
    %add3A_27 = vector.broadcast %get3A_26 : vector<1x128xf32> to vector<1000x128xf32>
    %add3A_28 = arith.addf %add3A, %add3A_27 : vector<1000x128xf32>
    %get3A_29 = arith.constant 0 : index
    %get3A_30 = arith.constant 0 : index
    %get3A_31 = vector.load %arg7[%get3A_29, %get3A_30] : memref<1x128xf32, #tpu.memory_space<vmem>>, vector<1x128xf32>
    %max3A_32 = vector.broadcast %get3A_31 : vector<1x128xf32> to vector<1000x128xf32>
    %max3A_33 = arith.maximumf %add3A_28, %max3A_32 : vector<1000x128xf32>
    %swap3A = arith.constant 0 : index
    %swap3A_34 = arith.constant 0 : index
    %swap3A_35 = vector.load %arg8[%swap3A, %swap3A_34] : memref<1000x128xf32, #tpu.memory_space<vmem>>, vector<1000x128xf32>
    tpu.vector_store %arg8[%swap3A, %swap3A_34], %max3A_33 {strides = array<i32>} : memref<1000x128xf32, #tpu.memory_space<vmem>>, vector<1000x128xf32>,
    return
  }
  func.func @transform_0(%arg0: i32) -> (i32, i32, i32) {
    %jit3A = arith.constant 5 : i32
    %div3A = arith.divsi %arg0, %jit3A : i32
    %sign3A = arith.constant 0 : i32
    %sign3A_0 = arith.cmpi sgt, %arg0, %sign3A : i32
    %sign3A_1 = arith.extui %sign3A_0 : i1 to i32
    %sign3A_2 = arith.constant 0 : i32
    %sign3A_3 = arith.cmpi slt, %arg0, %sign3A_2 : i32
    %sign3A_4 = arith.extui %sign3A_3 : i1 to i32
    %sign3A_5 = arith.subi %sign3A_1, %sign3A_4 : i32
    %sign3A_6 = arith.constant 0 : i32
    %sign3A_7 = arith.cmpi sgt, %jit3A, %sign3A_6 : i32
    %sign3A_8 = arith.extui %sign3A_7 : i1 to i32
    %sign3A_9 = arith.constant 0 : i32
    %sign3A_10 = arith.cmpi slt, %jit3A, %sign3A_9 : i32
    %sign3A_11 = arith.extui %sign3A_10 : i1 to i32
    %sign3A_12 = arith.subi %sign3A_8, %sign3A_11 : i32
    %ne3A = arith.cmpi ne, %sign3A_5, %sign3A_12 : i32
    %rem3A = arith.remsi %arg0, %jit3A : i32
    %ne3A_13 = arith.constant 0 : i32
    %ne3A_14 = arith.cmpi ne, %rem3A, %ne3A_13 : i32
    %and3A = arith.andi %ne3A, %ne3A_14 : i1
    %sub3A = arith.constant 1 : i32
    %sub3A_15 = arith.subi %div3A, %sub3A : i32
    %select_n3A = arith.select %and3A, %sub3A_15, %div3A : i32
    %jit3A_16 = arith.constant 5 : i32
    %eq3A = arith.constant 0 : i32
    %eq3A_17 = arith.cmpi eq, %jit3A_16, %eq3A : i32
    %jit3A_18 = arith.constant 1 : i32
    %select_n3A_19 = arith.select %eq3A_17, %jit3A_18, %jit3A_16 : i32
    %rem3A_20 = arith.remsi %arg0, %select_n3A_19 : i32
    %ne3A_21 = arith.constant 0 : i32
    %ne3A_22 = arith.cmpi ne, %rem3A_20, %ne3A_21 : i32
    %lt3A = arith.constant 0 : i32
    %lt3A_23 = arith.cmpi slt, %rem3A_20, %lt3A : i32
    %lt3A_24 = arith.constant 0 : i32
    %lt3A_25 = arith.cmpi slt, %select_n3A_19, %lt3A_24 : i32
    %ne3A_26 = arith.xori %lt3A_23, %lt3A_25 : i1
    %and3A_27 = arith.andi %ne3A_26, %ne3A_22 : i1
    %add3A = arith.addi %rem3A_20, %select_n3A_19 : i32
    %select_n3A_28 = arith.select %and3A_27, %add3A, %rem3A_20 : i32
    %c0_i32 = arith.constant 0 : i32
    %c0_i32_29 = arith.constant 0 : i32
    return %select_n3A, %select_n3A_28, %c0_i32 : i32, i32, i32
  }
  func.func @transform_1(%arg0: i32) -> (i32, i32, i32) {
    %jit3A = arith.constant 5 : i32
    %div3A = arith.divsi %arg0, %jit3A : i32
    %sign3A = arith.constant 0 : i32
    %sign3A_0 = arith.cmpi sgt, %arg0, %sign3A : i32
    %sign3A_1 = arith.extui %sign3A_0 : i1 to i32
    %sign3A_2 = arith.constant 0 : i32
    %sign3A_3 = arith.cmpi slt, %arg0, %sign3A_2 : i32
    %sign3A_4 = arith.extui %sign3A_3 : i1 to i32
    %sign3A_5 = arith.subi %sign3A_1, %sign3A_4 : i32
    %sign3A_6 = arith.constant 0 : i32
    %sign3A_7 = arith.cmpi sgt, %jit3A, %sign3A_6 : i32
    %sign3A_8 = arith.extui %sign3A_7 : i1 to i32
    %sign3A_9 = arith.constant 0 : i32
    %sign3A_10 = arith.cmpi slt, %jit3A, %sign3A_9 : i32
    %sign3A_11 = arith.extui %sign3A_10 : i1 to i32
    %sign3A_12 = arith.subi %sign3A_8, %sign3A_11 : i32
    %ne3A = arith.cmpi ne, %sign3A_5, %sign3A_12 : i32
    %rem3A = arith.remsi %arg0, %jit3A : i32
    %ne3A_13 = arith.constant 0 : i32
    %ne3A_14 = arith.cmpi ne, %rem3A, %ne3A_13 : i32
    %and3A = arith.andi %ne3A, %ne3A_14 : i1
    %sub3A = arith.constant 1 : i32
    %sub3A_15 = arith.subi %div3A, %sub3A : i32
    %select_n3A = arith.select %and3A, %sub3A_15, %div3A : i32
    %jit3A_16 = arith.constant 5 : i32
    %eq3A = arith.constant 0 : i32
    %eq3A_17 = arith.cmpi eq, %jit3A_16, %eq3A : i32
    %jit3A_18 = arith.constant 1 : i32
    %select_n3A_19 = arith.select %eq3A_17, %jit3A_18, %jit3A_16 : i32
    %rem3A_20 = arith.remsi %arg0, %select_n3A_19 : i32
    %ne3A_21 = arith.constant 0 : i32
    %ne3A_22 = arith.cmpi ne, %rem3A_20, %ne3A_21 : i32
    %lt3A = arith.constant 0 : i32
    %lt3A_23 = arith.cmpi slt, %rem3A_20, %lt3A : i32
    %lt3A_24 = arith.constant 0 : i32
    %lt3A_25 = arith.cmpi slt, %select_n3A_19, %lt3A_24 : i32
    %ne3A_26 = arith.xori %lt3A_23, %lt3A_25 : i1
    %and3A_27 = arith.andi %ne3A_26, %ne3A_22 : i1
    %add3A = arith.addi %rem3A_20, %select_n3A_19 : i32
    %select_n3A_28 = arith.select %and3A_27, %add3A, %rem3A_20 : i32
    %c0_i32 = arith.constant 0 : i32
    %c0_i32_29 = arith.constant 0 : i32
    return %select_n3A, %select_n3A_28, %c0_i32 : i32, i32, i32
  }
  func.func @transform_2(%arg0: i32) -> (i32, i32) {
    %c0_i32 = arith.constant 0 : i32
    %c0_i32_0 = arith.constant 0 : i32
    return %arg0, %c0_i32 : i32, i32
  }
  func.func @transform_3(%arg0: i32) -> (i32, i32) {
    %c0_i32 = arith.constant 0 : i32
    %c0_i32_0 = arith.constant 0 : i32
    %c0_i32_1 = arith.constant 0 : i32
    return %c0_i32, %c0_i32_0 : i32, i32
  }
  func.func @transform_4(%arg0: i32) -> (i32, i32) {
    %c0_i32 = arith.constant 0 : i32
    %c0_i32_0 = arith.constant 0 : i32
    %c0_i32_1 = arith.constant 0 : i32
    return %c0_i32, %c0_i32_0 : i32, i32
  }
  func.func @transform_5(%arg0: i32) -> (i32, i32) {
    %c0_i32 = arith.constant 0 : i32
    %c0_i32_0 = arith.constant 0 : i32
    %c0_i32_1 = arith.constant 0 : i32
    return %c0_i32, %c0_i32_0 : i32, i32
  }
  func.func @transform_6(%arg0: i32) -> (i32, i32) {
    %c0_i32 = arith.constant 0 : i32
    %c0_i32_0 = arith.constant 0 : i32
    %c0_i32_1 = arith.constant 0 : i32
    return %c0_i32, %c0_i32_0 : i32, i32
  }
  func.func @transform_7(%arg0: i32) -> (i32, i32) {
    %c0_i32 = arith.constant 0 : i32
    %c0_i32_0 = arith.constant 0 : i32
    return %arg0, %c0_i32 : i32, i32
  }
}

</mosaic_0001>

<sc_bundles>
// kernel: closed_call.9.cloned.1.call-start
scs
__scs_entry_jumppad:
0x0: {  	(pc) =	sbr.rel $0x88, $3  }
0x1: {  	(tag) =	ssettag $0x0;
	lr =	simm.s32 $0x1  }
0x2: {  	[smem:$0x3F99] =	sst lr;
	_ =	strace $0xD0000000  }
0x3: {  	_ = 	snop  }
0x4: {  	_ = 	snop  }
0x5: {  	_ = 	snop  }
0x6: {  	_ = 	snop  }
0x7: {  	_ = 	snop  }
__scs_overlays_trampoline_lowered:
0x8: {  	[smem:$0x3FA8] =	sst s0  }
0x9: {  	[smem:$0x3FA9] =	sst s1  }
0xa: {  	[smem:$0x3FAA] =	sst s2  }
0xb: {  	[smem:$0x3FAB] =	sst s3  }
0xc: {  	[smem:$0x3FAC] =	sst s4  }
0xd: {  	[smem:$0x3FAD] =	sst s5  }
0xe: {  	[smem:$0x3FAE] =	sst s6  }
0xf: {  	[smem:$0x3FAF] =	sst s7  }
0x10: {  	[smem:$0x3FB0] =	sst s8  }
0x11: {  	[smem:$0x3FB1] =	sst s9;
	s0 =	simm.s32 @!p0 $0x0  }
0x12: {  	s1 =	sld [smem:$0x3F97];
	s0 =	simm.s32 @p0 $0x1  }
0x13: {  	[smem:$0x3FB2] =	sst s0;
	s0 =	simm.s32 @!p1 $0x0  }
0x14: {  	s2 =	sld [smem:$0x3F96];
	s0 =	simm.s32 @p1 $0x1  }
0x15: {  	[smem:$0x3FB3] =	sst s0;
	s0 =	simm.s32 @!p2 $0x0  }
0x16: {  	s3 =	sld [smem:$0x3FDB];
	s0 =	simm.s32 @p2 $0x1  }
0x17: {  	s4 =	simm.s32 $0x1BF5;
	[smem:$0x3FB5] =	sst s0  }
0x18: {  	s0 =	sld [smem:$0x3F98];
	_ =	swait.ge [sflag:s4], $0x0  }
0x19: {  	s7 =	sld [smem:$0x3F99]  }
0x1a: {  	s8 =	sadd.s32 $0xFFFFE003, lr  }
0x1b: {  	s9 =	sadd.s32 $0xFFFFFEF7, lr;
	s5 =	simm.s32 $0xFFFFFFFF;
	p2 =	slt.u32 s8, $0xFFFFF086  }
0x1c: {  	p1 =	slt.u32 s9, $0xF7A;
	s5 =	simm.s32 @!p2 $0x0  }
0x1d: {  	s5 =	simm.s32 @p1 $0x1;
	p0 =	seq.s32 s7, s2  }
0x1e: {  	s7 =	smul.u32 @!p0 $0xF7A, s2;
	p2 =	seq.s32 @!p0 s5, $0x0  }
0x1f: {  	s9 =	smul.u32 $0xF7A, s1;
	s8 =	simm.s32 @!p0 $0x1BF5;
	p2 =	por !p2, p0  }
0x20: {  	[sflag:s8] =	ssyncset.s32 @!p0 $0xFFFFF086;
	s6 =	sadd.s32 @!p0 s3, s7;
	s7 =	simm.s32 @!p0 $0x108  }
0x21: {  	s3 =	sadd.s32 s3, s9;
	s6 =	sadd.s32 @!p0 $0x88, s6;
	s7 =	simm.s32 @p2 $0x1082  }
0x22: {  	[simem:s7], [sflag:s8] =	dma.local @!p0 [hbm:s6], $0xF7A  }
0x23: {  	s9 =	sor.u32 $0xD0000000, s2;
	s6 =	simm.s32 $0x108;
	_ =	swait.ge @!p0 [sflag:s8], $0x0  }
0x24: {  	s3 =	sadd.s32 $0x88, s3;
	s6 =	simm.s32 @!p1 $0x1082;
	[sflag:s4] =	ssyncset.s32 $0xFFFFF086  }
0x25: {  	[simem:s6], [sflag:s4] =	dma.local [hbm:s3], $0xF7A  }
0x26: {  	[smem:$0x3F99] =	sst s1;
	(tag) =	ssettag s2;
	_ =	strace s9  }
0x27: {  	s1 =	sld [smem:$0x3FA9]  }
0x28: {  	s2 =	sld [smem:$0x3FAA]  }
0x29: {  	s4 =	sld [smem:$0x3FAC]  }
0x2a: {  	p0 =	seq.s32 s5, $0x0;
	s5 =	sld [smem:$0x3FAD]  }
0x2b: {  	s6 =	sld [smem:$0x3FAE]  }
0x2c: {  	s7 =	sld [smem:$0x3FAF]  }
0x2d: {  	s3 =	simm.s32 $0x108;
	s8 =	sld [smem:$0x3FB0]  }
0x2e: {  	s3 =	simm.s32 @!p0 $0x1082;
	s9 =	sld [smem:$0x3FB1]  }
0x2f: {  	lr =	sadd.s32 s0, s3;
	s0 =	sld [smem:$0x3FA8]  }
0x30: {  	s3 =	sld [smem:$0x3FAB]  }
0x31: {  	[smem:$0x3FB4] =	sst s10  }
0x32: {  	s10 =	sld [smem:$0x3FB2];
	_ =	sdelay $0x3  }
0x33: {  	p0 =	seq.s32 s10, $0x1;
	s10 =	sld [smem:$0x3FB4];
	_ =	sdelay $0x3  }
0x34: {  	[smem:$0x3FB4] =	sst s10  }
0x35: {  	s10 =	sld [smem:$0x3FB3];
	_ =	sdelay $0x3  }
0x36: {  	p1 =	seq.s32 s10, $0x1;
	s10 =	sld [smem:$0x3FB4];
	_ =	sdelay $0x3  }
0x37: {  	[smem:$0x3FB4] =	sst s10  }
0x38: {  	s10 =	sld [smem:$0x3FB5]  }
0x39: {  	_ = 	snop;
	(pc) =	sbr.ind lr, $3  }
0x3a: {  	_ = 	snop  }
0x3b: {  	_ = 	snop  }
0x3c: {  	p2 =	seq.s32 s10, $0x1;
	s10 =	sld [smem:$0x3FB4]  }
0x3d: {  	_ =	shalt  }
0x3e: {  	_ =	shalt  }
0x3f: {  	_ =	shalt  }
0x40: {  	_ =	shalt  }
0x41: {  	_ =	shalt  }
0x42: {  	_ =	shalt  }
0x43: {  	_ =	shalt  }
0x44: {  	_ =	shalt  }
0x45: {  	_ =	shalt  }
0x46: {  	_ =	shalt  }
0x47: {  	_ =	shalt  }
0x48: {  	_ =	shalt  }
0x49: {  	_ =	shalt  }
0x4a: {  	_ =	shalt  }
0x4b: {  	_ =	shalt  }
0x4c: {  	_ =	shalt  }
0x4d: {  	_ =	shalt  }
0x4e: {  	_ =	shalt  }
0x4f: {  	_ =	shalt  }
0x50: {  	_ =	shalt  }
0x51: {  	_ =	shalt  }
0x52: {  	_ =	shalt  }
0x53: {  	_ =	shalt  }
0x54: {  	_ =	shalt  }
0x55: {  	_ =	shalt  }
0x56: {  	_ =	shalt  }
0x57: {  	_ =	shalt  }
0x58: {  	_ =	shalt  }
0x59: {  	_ =	shalt  }
0x5a: {  	_ =	shalt  }
0x5b: {  	_ =	shalt  }
0x5c: {  	_ =	shalt  }
0x5d: {  	_ =	shalt  }
0x5e: {  	_ =	shalt  }
0x5f: {  	_ =	shalt  }
0x60: {  	_ =	shalt  }
0x61: {  	_ =	shalt  }
0x62: {  	_ =	shalt  }
0x63: {  	_ =	shalt  }
0x64: {  	_ =	shalt  }
0x65: {  	_ =	shalt  }
0x66: {  	_ =	shalt  }
0x67: {  	_ =	shalt  }
0x68: {  	_ =	shalt  }
0x69: {  	_ =	shalt  }
0x6a: {  	_ =	shalt  }
0x6b: {  	_ =	shalt  }
0x6c: {  	_ =	shalt  }
0x6d: {  	_ =	shalt  }
0x6e: {  	_ =	shalt  }
0x6f: {  	_ =	shalt  }
0x70: {  	_ =	shalt  }
0x71: {  	_ =	shalt  }
0x72: {  	_ =	shalt  }
0x73: {  	_ =	shalt  }
0x74: {  	_ =	shalt  }
0x75: {  	_ =	shalt  }
0x76: {  	_ =	shalt  }
0x77: {  	_ =	shalt  }
0x78: {  	_ =	shalt  }
0x79: {  	_ =	shalt  }
0x7a: {  	_ =	shalt  }
0x7b: {  	_ =	shalt  }
0x7c: {  	_ =	shalt  }
0x7d: {  	_ =	shalt  }
0x7e: {  	_ =	shalt  }
0x7f: {  	_ =	shalt  }
0x80: {  	_ =	shalt  }
0x81: {  	_ =	shalt  }
0x82: {  	_ =	shalt  }
0x83: {  	_ =	shalt  }
0x84: {  	_ =	shalt  }
0x85: {  	_ =	shalt  }
0x86: {  	_ =	shalt  }
0x87: {  	_ =	shalt  }
.Lfunc_end0:
.L_simem_size_0:
called_computation_lowered:
.L_overlay_start_0:
0x88: {  	s2 =	sld [smem:$0x3FD9]  }
0x89: {  	s3 =	sld [smem:$0x3FFE];
	_ =	sdelay $0x1  }
0x8a: {  	s1 =	srdreg.scid  }
0x8b: {  	s0 =	sand.u32 $0x1, s1  }
0x8c: {  	s17 =	sshll.u32 s0, $0xA;
	s2 =	sadd.s32 s3, s2  }
0x8d: {  	s2 =	sadd.s32 s2, s17  }
0x8e: {  	[smem:$0x3FC0] =	sst s2  }
0x8f: {  	_ = 	snop  }
0x90: {  	s2 =	sld [smem:$0x3FD0];
	(tm) =	ssettm $0x1  }
0x91: {  	s18 =	sld [smem:$0x3FFB];
	_ =	sdelay $0x3  }
0x92: {  	_ =	strace s18  }
0x93: {  	s3 =	sld [smem:$0x3FFC];
	_ =	sdelay $0x3  }
0x94: {  	_ =	strace s3  }
0x95: {  	s3 =	sld [smem:$0x3FFD];
	_ =	sdelay $0x3  }
0x96: {  	_ =	strace s3  }
0x97: {  	_ =	strace $0x8FFFFFFF  }
0x98: {  	s19 =	sld [smem:$0x3FDB];
	_ =	sdelay $0x1  }
0x99: {  	s4 =	simm.s32 $_scs_section_size  }
0x9a: {  	s5 =	simm.s32 $_size__tile_overlayer_lowered;
	s6 =	simm.s32 $_tile_overlayer_lowered  }
0x9b: {  	s22 =	simm.s32 $0x1BFF;
	s21 =	sshll.u32 s6, $0x1;
	s3 =	sadd.s32 s4, s19  }
0x9c: {  	s7 =	simm.s32 $0x0;
	s20 =	sshll.u32 s5, $0x1;
	s5 =	sadd.s32 s21, s3  }
0x9d: {  	[timem:s7], [sflag:s22] =	dma.local [hbm:s5], s20  }
0x9e: {  	_ =	swait.ge [sflag:s22], s20  }
0x9f: {  	s4 =	ssub.s32 $0x0, s20;
	[sflag:s22] =	ssyncset.done $0x0  }
0xa0: {  	[sflag:s22] =	ssyncadd.s32 s4;
	_ =	sdelay $0x1  }
0xa1: {  	s23 =	simm.s32 $0x1B8B  }
0xa2: {  	_ =	swait.ge [sflag:s23], $0x1  }
0xa3: {  	[sflag:s23] =	ssyncset.done $0x0  }
0xa4: {  	s25 =	simm.s32 $0x1B8E;
	s24 =	sld [smem:$0x3FFE];
	[sflag:s23] =	ssyncadd.s32 $0xFFFFFFFF  }
0xa5: {  	s26 =	simm.s32 $execute0_lowered;
	[smem:$0x3FD2] =	sst s25  }
0xa6: {  	s5 =	sshll.u32 s26, $0x1;
	_ =	strace $0x80000046;
	[dreg:$0x1] =	wrdreg $0xFFFFFFFF  }
0xa7: {  	s28 =	simm.s32 $_size_execute0_lowered;
	s3 =	sadd.s32 s3, s5;
	[dreg:$0x0] =	wrdreg $0x0  }
0xa8: {  	s5 =	sshll.u32 s28, $0x1;
	[dreg:$0x2] =	wrdreg s3  }
0xa9: {  	[dreg:$0x3] =	wrdreg s5  }
0xaa: {  	[dreg:$0x4] =	wrdreg $0xC0  }
0xab: {  	_ =	task [dreg:s7], $0x5FFFF  }
0xac: {  	[dreg:$0x1] =	wrdreg $0xFFFFFFFF  }
0xad: {  	[dreg:$0x0] =	wrdreg $0x60  }
0xae: {  	[dreg:$0x2] =	wrdreg s2  }
0xaf: {  	[dreg:$0x3] =	wrdreg s24  }
0xb0: {  	[dreg:$0x4] =	wrdreg $0x41000  }
0xb1: {  	[dreg:$0x5] =	wrdreg $0xE1000  }
0xb2: {  	[dreg:$0x6] =	wrdreg $0x122000  }
0xb3: {  	[dreg:$0x7] =	wrdreg $0x9  }
0xb4: {  	_ =	task.clear_ibuf [dreg:s7], $0x8FFFF;
	_ =	strace $0x90000046  }
0xb5: {  	s29 =	simm.s32 $0x9;
	_ =	strace $0x80000048  }
0xb6: {  	_ =	swait.ge [sflag:s29], $0x1  }
0xb7: {  	[sflag:s29] =	ssyncadd.s32 $0xFFFFFFFF  }
0xb8: {  	_ =	strace $0x90000048  }
0xb9: {  	_ =	sfence  }
0xba: {  	s30 =	sld [smem:$0x0];
	_ =	sdelay $0x2  }
0xbb: {  	s31 =	sshll.u32 s1, $0xD;
	s1 =	sshrl.u32 s1, $0x2  }
0xbc: {  	s3 =	sand.u32 $0x4000, s31;
	s1 =	sadd.s32 s1, s30  }
0xbd: {  	s0 =	sor.u32 s3, s0;
	s1 =	sshll.u32 s1, $0x11  }
0xbe: {  	s0 =	sor.u32 s1, s0  }
0xbf: {  	s0 =	sadd.s32 $0x8F2B, s0  }
0xc0: {  	[sflag:s0] =	ssyncadd.remote.s32 $0x1  }
0xc1: {  	_ =	sfence.sel $0xFFFF  }
0xc2: {  	[dreg:$0x0] =	wrdreg $0xFFFFFFFF;
	(pc) =	sbr.abs _section_cstart, $3  }
0xc3: {  	[dreg:$0x1] =	wrdreg $0xFFFFFFFF  }
0xc4: {  	_ =	task.clear_ibuf [dreg:s7], $0x2FFFF;
	_ =	strace $0x9FFFFFFF  }
0xc5: {  	(tm) =	ssettm $0x7FFFFFFF  }
tec
execute0_lowered:
.L_overlay_start_1:
0x0: {  	(tag) =	ssettag $0x1  }
0x1: {  	s1 =	rddreg [dreg:$0x0]  }
0x2: {  	s6 =	rddreg [dreg:$0x1]  }
0x3: {  	s2 =	rddreg [dreg:$0x2];
	s0 =	stileid.u32  }
0x4: {  	s3 =	srdreg.scid;
	s12 =	rddreg [dreg:$0x3]  }
0x5: {  	s4 =	rddreg [dreg:$0x4];
	s5 =	simm.s32 $0x0;
	s20 =	simm.s32 $0x1  }
0x6: {  	s22 =	simm.s32 $0x80;
	s13 =	sand.u32 $0x1, s3;
	s3 =	rddreg [dreg:$0x5]  }
0x7: {  	s23 =	simm.s32 $0x0;
	s9 =	smul.u32 $0xA000, s0;
	[smem:$0x7FF] =	sst s5  }
0x8: {  	s8 =	smul.u32 $0xA00, s0;
	s14 =	sshll.u32 s0, $0x8;
	s21 =	sadd.s32 $0x1388, s0  }
0x9: {  	s7 =	smul.u32 $0xA0000, s13;
	_ =	strace $0x80000047;
	s10 =	ssub.s32 $0x2, s13  }
0xa: {  	s19 =	smul.u32 $0xFFFFEC78, s13;
	s12 =	sadd.s32 s14, s12;
	v1 =	vmov s21;
	s21 =	simm.s32 $0xE200  }
0xb: {  	s18 =	sadd.s32 s8, s6;
	s30 =	sshrl.u32 s10, $0x1;
	s31 =	sadd.s32 $0x4000, s9  }
0xc: {  	s11 =	sadd.s32 $0x8000, s9;
	s13 =	sadd.s32 $0x80, s12;
	s7 =	sadd.s32 s9, s7  }
0xd: {  	s16 =	ssub.s32 s10, s30;
	s8 =	sadd.s32 s11, s2;
	s10 =	sadd.s32 s31, s4  }
0xe: {  	s11 =	sadd.s32 s11, s4;
	s17 =	sadd.s32 $0x3800, s18;
	s18 =	sadd.s32 $0xD800, s18  }
0xf: {  	v0 =	vmov s19;
	s19 =	simm.s32 $0x100;
	s7 =	sshrl.u32 s7, $0x3;
	s16 =	smax.u32 s16, $0x1  }
0x10: {  	s15 =	sadd.s32 s7, s6;
	s6 =	sadd.s32 s9, s2;
	s7 =	sadd.s32 s31, s2  }
0x11: {  	v2 =	vimm.f32 $0.0e+00;
	v3 =	vimm.f32 $1.000000000e+00;
	s9 =	sadd.s32 s9, s4;
	s14 =	sadd.s32 $0x17800, s15;
	s15 =	sadd.s32 $0x3F800, s15  }
.LBB2_1:
0x12: {  	s24 =	simm.s32 $0x0;
	s25 =	simm.s32 $0x200  }
.LBB2_2:
0x13: {  	p0 =	sne.s32 s25, $0xFE00;
	[tilespmem:s24+$0x170] =	vst v2  }
0x14: {  	[tilespmem:s24+$0x100] =	vst v2  }
0x15: {  	[tilespmem:s24+$0x110] =	vst v2  }
.Ltmp0:
0x16: {  	[tilespmem:s24+$0x120] =	vst v2;
	(pc) =	sbr.rel @p0 .LBB2_2-.Ltmp0, $4  }
0x17: {  	[tilespmem:s24+$0x130] =	vst v2  }
0x18: {  	[tilespmem:s24+$0x140] =	vst v2  }
0x19: {  	[tilespmem:s24+$0x150] =	vst v2  }
0x1a: {  	[tilespmem:s24+$0x160] =	vst v2;
	s24 =	sshra.s32 s25, $0x2;
	s25 =	sadd.s32 $0x200, s25  }
0x1b: {  	[tilespmem:s24+$0x170] =	vst v2  }
0x1c: {  	[tilespmem:s24+$0x100] =	vst v2  }
0x1d: {  	[tilespmem:s24+$0x110] =	vst v2  }
0x1e: {  	[tilespmem:s24+$0x120] =	vst v2  }
0x1f: {  	[tilespmem:s24+$0x130] =	vst v2  }
0x20: {  	[tilespmem:s24+$0x140] =	vst v2  }
0x21: {  	[tilespmem:s24+$0x150] =	vst v2  }
0x22: {  	[tilespmem:s24+$0x160] =	vst v2  }
0x23: {  	[spmem:s6] =	stream.linear.scatter [tilespmem:s19], [sflag:$0x1], $0x4000, $0x38;
	[tilespmem:$0x13600] =	vst v63  }
0x24: {  	_ =	swait.ge [sflag:s20], $0x4000  }
0x25: {  	[sflag:s20] =	ssyncset.done $0x0  }
0x26: {  	[sflag:s20] =	ssyncadd.s32 $0xFFFFC000  }
0x27: {  	[spmem:s7] =	stream.linear.scatter [tilespmem:s19], [sflag:$0x1], $0x4000, $0x38;
	[tilespmem:$0x13600] =	vst v63  }
0x28: {  	_ =	swait.ge [sflag:s20], $0x4000  }
0x29: {  	[sflag:s20] =	ssyncset.done $0x0  }
0x2a: {  	[sflag:s20] =	ssyncadd.s32 $0xFFFFC000  }
0x2b: {  	[spmem:s8] =	stream.linear.scatter [tilespmem:s19], [sflag:$0x1], $0x2000, $0x38;
	[tilespmem:$0x13600] =	vst v63  }
0x2c: {  	_ =	swait.ge [sflag:s20], $0x2000  }
0x2d: {  	[sflag:s20] =	ssyncset.done $0x0  }
0x2e: {  	s24 =	simm.s32 $0x200;
	s25 =	simm.s32 $0x0;
	[sflag:s20] =	ssyncadd.s32 $0xFFFFE000  }
.LBB2_4:
0x2f: {  	p0 =	sne.s32 s24, $0xFE00;
	[tilespmem:s25+$0xE200] =	vst v2;
	s25 =	smov.u32 s24;
	s24 =	sadd.s32 $0x200, s24  }
.Ltmp1:
0x30: {  	(pc) =	sbr.rel @p0 .LBB2_4-.Ltmp1, $2  }
0x31: {  	_ =	sdelay $0x2  }
0x32: {  	s25 =	sshra.s32 s25, $0x2  }
0x33: {  	[tilespmem:s25+$0xE200] =	vst v2  }
0x34: {  	[spmem:s9] =	stream.linear.scatter [tilespmem:s21], [sflag:$0x1], $0x4000, $0x38;
	[tilespmem:$0x13600] =	vst v63  }
0x35: {  	_ =	swait.ge [sflag:s20], $0x4000  }
0x36: {  	[sflag:s20] =	ssyncset.done $0x0  }
0x37: {  	[sflag:s20] =	ssyncadd.s32 $0xFFFFC000  }
0x38: {  	[spmem:s10] =	stream.linear.scatter [tilespmem:s21], [sflag:$0x1], $0x4000, $0x38;
	[tilespmem:$0x13600] =	vst v63  }
0x39: {  	_ =	swait.ge [sflag:s20], $0x4000  }
0x3a: {  	[sflag:s20] =	ssyncset.done $0x0  }
0x3b: {  	[sflag:s20] =	ssyncadd.s32 $0xFFFFC000  }
0x3c: {  	[spmem:s11] =	stream.linear.scatter [tilespmem:s21], [sflag:$0x1], $0x2000, $0x38;
	[tilespmem:$0x13600] =	vst v63  }
0x3d: {  	_ =	swait.ge [sflag:s20], $0x2000  }
0x3e: {  	[sflag:s20] =	ssyncset.done $0x0  }
0x3f: {  	s24 =	simm.s32 $0x200;
	s25 =	simm.s32 $0x0;
	[sflag:s20] =	ssyncadd.s32 $0xFFFFE000  }
.LBB2_6:
0x40: {  	p0 =	sne.s32 s24, $0xFE00;
	[tilespmem:s25+$0xE200] =	vst v3;
	s25 =	smov.u32 s24;
	s24 =	sadd.s32 $0x200, s24  }
.Ltmp2:
0x41: {  	(pc) =	sbr.rel @p0 .LBB2_6-.Ltmp2, $2  }
0x42: {  	_ =	sdelay $0x2  }
0x43: {  	s25 =	sshra.s32 s25, $0x2  }
0x44: {  	[tilespmem:s25+$0xE200] =	vst v3;
	s24 =	sshll.u32 s0, $0x6;
	s26 =	sadd.s32 $0x0, s18  }
0x45: {  	s25 =	sshrl.u32 s12, $0x3;
	[bflag:$0x0] =	sbarrier.arrive $0xFFFF;
	s24 =	sor.u32 $0x1C01, s24  }
0x46: {  	[spmem:s25], [sflag:s24] =	dma.local [hbm:s26], $0x10  }
0x47: {  	_ =	swait.ge [sflag:s20], $0x10  }
0x48: {  	[sflag:s20] =	ssyncset.done $0x0  }
0x49: {  	s28 =	sadd.s32 $0x0, s17;
	s26 =	sshrl.u32 s13, $0x3;
	[sflag:s20] =	ssyncadd.s32 $0xFFFFFFF0  }
0x4a: {  	[spmem:s26], [sflag:s24] =	dma.local [hbm:s28], $0x10  }
0x4b: {  	_ =	swait.ge [sflag:s20], $0x10  }
0x4c: {  	[sflag:s20] =	ssyncset.done $0x0  }
0x4d: {  	[sflag:s20] =	ssyncadd.s32 $0xFFFFFFF0  }
0x4e: {  	[tilespmem:s5], [sflag:$0x1] =	stream.linear.gather [spmem:s12], $0x80, $0x38;
	[tilespmem:$0x13600] =	vst v63  }
0x4f: {  	_ =	swait.ge [sflag:s20], $0x80  }
0x50: {  	[sflag:s20] =	ssyncset.done $0x0  }
0x51: {  	[sflag:s20] =	ssyncadd.s32 $0xFFFFFF80  }
0x52: {  	[tilespmem:s22], [sflag:$0x1] =	stream.linear.gather [spmem:s13], $0x80, $0x38;
	[tilespmem:$0x13600] =	vst v63  }
0x53: {  	_ =	swait.ge [sflag:s20], $0x80  }
0x54: {  	[sflag:s20] =	ssyncset.done $0x0  }
0x55: {  	[sflag:s20] =	ssyncadd.s32 $0xFFFFFF80  }
0x56: {  	v6 =	vld [tilespmem:$0x70]  }
0x57: {  	v5 =	vld [tilespmem:$0x0]  }
0x58: {  	v7 =	vld [tilespmem:$0xF0]  }
0x59: {  	s28 =	simm.s32 $0x10;
	v4 =	vld [tilespmem:$0x40]  }
.LBB2_8:
0x5a: {  	p0 =	sne.s32 s28, $0x9F0;
	v8 =	vld [tilespmem:$0x30];
	s29 =	smov.u32 s28;
	s28 =	sadd.s32 $0x10, s28  }
0x5b: {  	v9 =	vld [tilespmem:$0x90]  }
0x5c: {  	v10 =	vld [tilespmem:$0xC0]  }
0x5d: {  	v11 =	vld [tilespmem:$0x80]  }
0x5e: {  	v7 =	vadd.s32 v0, v7;
	v12 =	vld [tilespmem:$0xB0]  }
0x5f: {  	vm1 =	vlt.u32 v7, $0x1388;
	v13 =	vld [tilespmem:$0xA0]  }
0x60: {  	v7 =	vsel vm1, v7, v1;
	v9 =	vadd.s32 v0, v9;
	v14 =	vld [tilespmem:$0xD0]  }
0x61: {  	v6 =	vnsel vm1, $0x0, v6;
	vm0 =	vlt.u32 v9, $0x1388;
	v15 =	vld [tilespmem:$0x20];
	v10 =	vadd.s32 v0, v10;
	[tilespmem:$0xF0] =	vst v7  }
0x62: {  	v7 =	vadd.s32 v0, v11;
	v9 =	vsel vm0, v9, v1;
	vm1 =	vlt.u32 v10, $0x1388;
	v11 =	vld [tilespmem:$0xE0];
	[tilespmem:$0x70] =	vst v6  }
0x63: {  	vm2 =	vlt.u32 v7, $0x1388;
	[tilespmem:$0x90] =	vst v9;
	v6 =	vadd.s32 v0, v12;
	v9 =	vsel vm1, v10, v1;
	v10 =	vld [tilespmem:$0x50]  }
0x64: {  	v7 =	vsel vm2, v7, v1;
	v12 =	vadd.s32 v0, v13;
	vm3 =	vlt.u32 v6, $0x1388;
	[tilespmem:$0xC0] =	vst v9;
	v9 =	vld [tilespmem:$0x60]  }
0x65: {  	[tilespmem:$0x80] =	vst v7;
	v7 =	vld [tilespmem:$0x10];
	vm4 =	vlt.u32 v12, $0x1388;
	v6 =	vsel vm3, v6, v1;
	v8 =	vnsel vm3, $0x0, v8  }
0x66: {  	v12 =	vsel vm4, v12, v1;
	v13 =	vnsel vm4, $0x0, v15;
	[tilespmem:$0x30] =	vst v8;
	v8 =	vadd.s32 v0, v14  }
0x67: {  	v5 =	vnsel vm2, $0x0, v5;
	[tilespmem:$0x20] =	vst v13;
	vm2 =	vlt.u32 v8, $0x1388;
	v11 =	vadd.s32 v0, v11  }
0x68: {  	[tilespmem:$0xB0] =	vst v6;
	v6 =	vsel vm2, v8, v1;
	v8 =	vnsel vm2, $0x0, v10;
	vm2 =	vlt.u32 v11, $0x1388  }
0x69: {  	v4 =	vnsel vm1, $0x0, v4;
	[tilespmem:$0x0] =	vst v5;
	v5 =	vsel vm2, v11, v1;
	v9 =	vnsel vm2, $0x0, v9  }
0x6a: {  	v7 =	vnsel vm0, $0x0, v7;
	[tilespmem:$0xE0] =	vst v5  }
0x6b: {  	[tilespmem:$0x10] =	vst v7  }
0x6c: {  	[tilespmem:$0x40] =	vst v4  }
0x6d: {  	[tilespmem:$0x60] =	vst v9  }
0x6e: {  	[tilespmem:$0xA0] =	vst v12  }
0x6f: {  	[tilespmem:$0x50] =	vst v8  }
0x70: {  	[tilespmem:$0xD0] =	vst v6  }
0x71: {  	[tilespmem:s19], [sflag:$0x1] =	stream.indirect.gather [hbm4b:s1+s22], $0x80, s5, s22, $0xb8;
	[tilespmem:$0x13600] =	vst v63  }
0x72: {  	_ =	swait.ge [sflag:s20], $0x4000  }
0x73: {  	[sflag:s20] =	ssyncset.done $0x0  }
0x74: {  	[sflag:s20] =	ssyncadd.s32 $0xFFFFC000  }
0x75: {  	[spmem:s2] =	stream.indirect.scatter.add.f32 [tilespmem:s19], [sflag:$0x1], $0x80, s22, s22, $0xb8;
	[tilespmem:$0x13600] =	vst v63  }
0x76: {  	_ =	swait.ge [sflag:s20], $0x4000  }
0x77: {  	[sflag:s20] =	ssyncset.done $0x0  }
0x78: {  	[sflag:s20] =	ssyncadd.s32 $0xFFFFC000  }
0x79: {  	[spmem:s4] =	stream.indirect.scatter.add.f32 [tilespmem:s21], [sflag:$0x1], $0x10, s22, s22, $0xb8;
	[tilespmem:$0x13600] =	vst v63  }
0x7a: {  	_ =	swait.ge [sflag:s20], $0x800  }
0x7b: {  	s30 =	sadd.s32 s29, s18;
	[sflag:s20] =	ssyncset.done $0x0  }
0x7c: {  	[sflag:s20] =	ssyncadd.s32 $0xFFFFF800  }
0x7d: {  	[spmem:s25], [sflag:s24] =	dma.local [hbm:s30], $0x10  }
0x7e: {  	_ =	swait.ge [sflag:s20], $0x10  }
0x7f: {  	[sflag:s20] =	ssyncset.done $0x0  }
0x80: {  	s29 =	sadd.s32 s29, s17;
	[sflag:s20] =	ssyncadd.s32 $0xFFFFFFF0  }
0x81: {  	[spmem:s26], [sflag:s24] =	dma.local [hbm:s29], $0x10  }
0x82: {  	_ =	swait.ge [sflag:s20], $0x10  }
0x83: {  	[sflag:s20] =	ssyncset.done $0x0  }
0x84: {  	[sflag:s20] =	ssyncadd.s32 $0xFFFFFFF0  }
0x85: {  	[tilespmem:s5], [sflag:$0x1] =	stream.linear.gather [spmem:s12], $0x80, $0x38;
	[tilespmem:$0x13600] =	vst v63  }
0x86: {  	_ =	swait.ge [sflag:s20], $0x80  }
0x87: {  	[sflag:s20] =	ssyncset.done $0x0  }
0x88: {  	[sflag:s20] =	ssyncadd.s32 $0xFFFFFF80  }
0x89: {  	[tilespmem:s22], [sflag:$0x1] =	stream.linear.gather [spmem:s13], $0x80, $0x38;
	[tilespmem:$0x13600] =	vst v63  }
0x8a: {  	_ =	swait.ge [sflag:s20], $0x80  }
0x8b: {  	[sflag:s20] =	ssyncset.done $0x0  }
.Ltmp3:
0x8c: {  	[sflag:s20] =	ssyncadd.s32 $0xFFFFFF80;
	(pc) =	sbr.rel @p0 .LBB2_8-.Ltmp3, $4  }
0x8d: {  	v6 =	vld [tilespmem:$0x70]  }
0x8e: {  	v5 =	vld [tilespmem:$0x0]  }
0x8f: {  	v7 =	vld [tilespmem:$0xF0]  }
0x90: {  	v4 =	vld [tilespmem:$0x40]  }
0x91: {  	v8 =	vld [tilespmem:$0x90]  }
0x92: {  	v9 =	vld [tilespmem:$0xC0]  }
0x93: {  	v10 =	vld [tilespmem:$0x80]  }
0x94: {  	v11 =	vld [tilespmem:$0xB0];
	v7 =	vadd.s32 v0, v7  }
0x95: {  	v12 =	vld [tilespmem:$0xA0];
	vm1 =	vlt.u32 v7, $0x1388  }
0x96: {  	v13 =	vld [tilespmem:$0x30];
	v8 =	vadd.s32 v0, v8;
	v7 =	vsel vm1, v7, v1  }
0x97: {  	v14 =	vld [tilespmem:$0x20];
	v9 =	vadd.s32 v0, v9;
	v6 =	vnsel vm1, $0x0, v6;
	vm0 =	vlt.u32 v8, $0x1388;
	[tilespmem:$0xF0] =	vst v7  }
0x98: {  	v52 =	vadd.s32 v0, v10;
	vm13 =	vlt.u32 v9, $0x1388;
	[tilespmem:$0x70] =	vst v6;
	v8 =	vsel vm0, v8, v1  }
0x99: {  	v53 =	vld [tilespmem:$0xE0];
	v54 =	vadd.s32 v0, v11;
	vm2 =	vlt.u32 v52, $0x1388;
	v55 =	vsel vm13, v9, v1;
	[tilespmem:$0x90] =	vst v8  }
0x9a: {  	v56 =	vadd.s32 v0, v12;
	vm3 =	vlt.u32 v54, $0x1388;
	v7 =	vsel vm2, v52, v1;
	[tilespmem:$0xC0] =	vst v55  }
0x9b: {  	v61 =	vld [tilespmem:$0x60];
	vm4 =	vlt.u32 v56, $0x1388;
	v58 =	vnsel vm3, $0x0, v13;
	[tilespmem:$0x80] =	vst v7  }
0x9c: {  	v57 =	vld [tilespmem:$0x10];
	v60 =	vnsel vm4, $0x0, v14;
	[tilespmem:$0x30] =	vst v58  }
0x9d: {  	v59 =	vld [tilespmem:$0xD0];
	v6 =	vsel vm3, v54, v1;
	[tilespmem:$0x20] =	vst v60  }
0x9e: {  	v10 =	vadd.s32 v0, v53;
	v5 =	vnsel vm2, $0x0, v5;
	[tilespmem:$0xB0] =	vst v6  }
0x9f: {  	v62 =	vld [tilespmem:$0x50];
	vm14 =	vlt.u32 v10, $0x1388;
	v4 =	vnsel vm13, $0x0, v4;
	[tilespmem:$0x0] =	vst v5  }
0xa0: {  	v63 =	vnsel vm14, $0x0, v61;
	[tilespmem:$0x40] =	vst v4  }
0xa1: {  	v5 =	vsel vm14, v10, v1;
	[tilespmem:$0x60] =	vst v63  }
0xa2: {  	v7 =	vnsel vm0, $0x0, v57;
	[tilespmem:$0xE0] =	vst v5;
	v5 =	vadd.s32 v0, v59  }
0xa3: {  	v4 =	vsel vm4, v56, v1;
	[tilespmem:$0x10] =	vst v7;
	vm15 =	vlt.u32 v5, $0x1388  }
0xa4: {  	[tilespmem:$0xA0] =	vst v4;
	v6 =	vnsel vm15, $0x0, v62  }
0xa5: {  	v4 =	vsel vm15, v5, v1;
	[tilespmem:$0x50] =	vst v6  }
0xa6: {  	[tilespmem:$0xD0] =	vst v4  }
0xa7: {  	[tilespmem:s19], [sflag:$0x1] =	stream.indirect.gather [hbm4b:s1+s22], $0x80, s5, s22, $0xb8;
	[tilespmem:$0x13600] =	vst v63  }
0xa8: {  	_ =	swait.ge [sflag:s20], $0x4000  }
0xa9: {  	[sflag:s20] =	ssyncset.done $0x0  }
0xaa: {  	[sflag:s20] =	ssyncadd.s32 $0xFFFFC000  }
0xab: {  	[spmem:s2] =	stream.indirect.scatter.add.f32 [tilespmem:s19], [sflag:$0x1], $0x80, s22, s22, $0xb8;
	[tilespmem:$0x13600] =	vst v63  }
0xac: {  	_ =	swait.ge [sflag:s20], $0x4000  }
0xad: {  	[sflag:s20] =	ssyncset.done $0x0  }
0xae: {  	[sflag:s20] =	ssyncadd.s32 $0xFFFFC000  }
0xaf: {  	[spmem:s4] =	stream.indirect.scatter.add.f32 [tilespmem:s21], [sflag:$0x1], $0x10, s22, s22, $0xb8;
	[tilespmem:$0x13600] =	vst v63  }
0xb0: {  	_ =	swait.ge [sflag:s20], $0x800  }
0xb1: {  	[sflag:s20] =	ssyncset.done $0x0  }
0xb2: {  	[sflag:s20] =	ssyncadd.s32 $0xFFFFF800  }
0xb3: {  	s25 =	sshrl.u32 s6, $0x3;
	[bflag:$0x0] =	sbarrier.arrive $0xFFFF  }
0xb4: {  	[hbm:s14], [sflag:s24] =	dma.local [spmem:s25], $0x1400  }
0xb5: {  	s23 =	sadd.s32 $0x1, s23;
	_ =	swait.ge [sflag:s20], $0x1400  }
0xb6: {  	p0 =	sne.s32 s23, s16;
	[sflag:s20] =	ssyncset.done $0x0  }
.Ltmp4:
0xb7: {  	s31 =	sshrl.u32 s9, $0x3;
	[sflag:s20] =	ssyncadd.s32 $0xFFFFEC00;
	(pc) =	sbr.rel @p0 .LBB2_1-.Ltmp4, $4  }
0xb8: {  	[hbm:s15], [sflag:s24] =	dma.local [spmem:s31], $0x1400  }
0xb9: {  	_ =	swait.ge [sflag:s20], $0x1400  }
0xba: {  	[sflag:s20] =	ssyncset.done $0x0  }
0xbb: {  	[sflag:s20] =	ssyncadd.s32 $0xFFFFEC00  }
0xbc: {  	_ =	sfence.sel $0x180000  }
0xbd: {  	[bflag:$0x0] =	sbarrier.arrive $0xFFFF  }
0xbe: {  	p0 =	sne.s32 s0, $0x0;
	_ =	strace $0x90000047  }
0xbf: {  	s0 =	sadd.s32 @!p0 $0x100000, s3;
	[bflag:$0x2] =	sbarrier.arrive $0xFFFF  }
0xc0: {  	[sflag:s0] =	ssyncadd.tile.s32 @!p0 $0x1;
	_ =	shalt  }
.Lfunc_end2:
_tile_overlayer_lowered:
.L_overlay_start_2:
0xc1: {  	(tag) =	ssettag $0x2  }
0xc2: {  	s0 =	rddreg [dreg:$0x0];
	s2 =	stileid.u32  }
0xc3: {  	s1 =	rddreg [dreg:$0x1];
	p0 =	sne.s32 s2, $0x0  }
0xc4: {  	s3 =	rddreg [dreg:$0x2];
	[bflag:$0x3] =	sbarrier.arrive $0xFFFF;
	s2 =	simm.s32 @!p0 $0x1C01  }
0xc5: {  	[timem:s3], [sflag:s2] =	dma.local @!p0 [hbm:s0], s1  }
0xc6: {  	s0 =	simm.s32 @!p0 $0x1  }
0xc7: {  	_ =	swait.ge @!p0 [sflag:s0], s1  }
0xc8: {  	s1 =	ssub.s32 @!p0 $0x0, s1;
	[sflag:s0] =	ssyncset.done @!p0 $0x0  }
0xc9: {  	[sflag:s0] =	ssyncadd.s32 @!p0 s1  }
0xca: {  	[bflag:$0x3] =	sbarrier.arrive $0xFFFF  }
0xcb: {  	_ =	shalt  }

</sc_bundles>
